<compile_context>
chip_gen: v7x
topology: tpu7x:2x2x1
jax: 0.10.2.dev20260603
libtpu: 0.0.44.dev20260713+nightly
codegen_flags: <defaults>
</compile_context>

<pallas_src>
import functools

import jax
import jax.numpy as jnp
from jax import lax
from jax.experimental import pallas as pl
from jax.experimental.pallas import tpu as pltpu
from jax.experimental.pallas import tpu_sc as plsc

VOCAB = 1000000
DIM = 64
CAND = 50
K = 50
STR_DIM = 128
GAMMA = 0.5

LANES = 128
ROWS = 7816
VPAD = ROWS * LANES
NEG = float("-inf")

_NC, _NS = 2, 16
_NW = _NC * _NS
_B_GATHER = 2560
_B_PER_W = _B_GATHER // _NW


def _topk_body(x_ref, out_ref, bufv, bufi, *, max_passes):
    rows_i = lax.broadcasted_iota(jnp.int32, (ROWS, LANES), 0)
    lane_i = lax.broadcasted_iota(jnp.int32, (ROWS, LANES), 1)
    lane_row = lax.broadcasted_iota(jnp.int32, (1, LANES), 1)

    bufv[...] = jnp.full((max_passes, LANES), NEG, jnp.float32)
    bufi[...] = jnp.zeros((max_passes, LANES), jnp.int32)

    def cond(carry):
        p, cnt = carry
        return jnp.logical_and(cnt < K, p < max_passes)

    def body(carry):
        p, _ = carry
        x = x_ref[0]
        m = jnp.max(x, axis=0, keepdims=True)
        gmax = jnp.max(m)
        cnt = jnp.sum((bufv[...] > gmax).astype(jnp.int32))

        @pl.when(cnt < K)
        def _extract():
            eq = x == m
            r = jnp.min(jnp.where(eq, rows_i, jnp.int32(2**30)),
                        axis=0, keepdims=True)
            x_ref[0] = jnp.where(eq, NEG, x)
            bufv[pl.ds(p, 1), :] = m
            bufi[pl.ds(p, 1), :] = r * LANES + lane_row

        return p + 1, cnt

    lax.while_loop(cond, body, (jnp.int32(0), jnp.int32(0)))

    def merge(k, acc):
        bv = bufv[...]
        m = jnp.max(bv)
        eq = bv == m
        sel = jnp.min(jnp.where(eq, bufi[...], jnp.int32(2**30)))
        bufv[...] = jnp.where(jnp.logical_and(eq, bufi[...] == sel), NEG, bv)
        out_lane = lax.broadcasted_iota(jnp.int32, (1, 64), 1)
        return jnp.where(out_lane == k, sel, acc)

    acc = lax.fori_loop(0, K, merge, jnp.zeros((1, 64), jnp.int32))
    out_ref[pl.ds(pl.program_id(0), 1), :] = acc


def _topk_call(x3):
    n = x3.shape[0]
    mp = 56
    return pl.pallas_call(
        functools.partial(_topk_body, max_passes=mp),
        grid=(n,),
        in_specs=[pl.BlockSpec((1, ROWS, LANES), lambda i: (i, 0, 0))],
        out_specs=pl.BlockSpec((n, 64), lambda i: (0, 0)),
        out_shape=jax.ShapeDtypeStruct((n, 64), jnp.int32),
        scratch_shapes=[
            pltpu.VMEM((mp, LANES), jnp.float32),
            pltpu.VMEM((mp, LANES), jnp.int32),
        ],
    )(x3)


def _gather(table, idx):
    mesh = plsc.VectorSubcoreMesh(core_axis_name="c", subcore_axis_name="s")

    @functools.partial(
        pl.kernel,
        mesh=mesh,
        out_type=jax.ShapeDtypeStruct((_B_GATHER, 2 * DIM), jnp.float32),
        scratch_types=[
            pltpu.VMEM((_B_PER_W,), jnp.int32),
            pltpu.VMEM((_B_PER_W, 2 * DIM), jnp.float32),
            pltpu.SemaphoreType.DMA,
        ],
    )
    def k(table_hbm, idx_hbm, out_hbm, idx_v, rows_v, sem):
        wid = lax.axis_index("s") * _NC + lax.axis_index("c")
        base = wid * _B_PER_W
        pltpu.sync_copy(idx_hbm.at[pl.ds(base, _B_PER_W)], idx_v)
        pltpu.async_copy(table_hbm.at[idx_v], rows_v, sem).wait()
        pltpu.sync_copy(rows_v, out_hbm.at[pl.ds(base, _B_PER_W)])

    return k(table, idx)


def _score_body(g_ref, par_ref, att_ref, bw_ref, bb_ref, t1e_ref, st2_ref,
                out_ref):
    c = pl.program_id(0)
    W = 2 * DIM
    ii = lax.broadcasted_iota(jnp.int32, (W, W), 0)
    jj = lax.broadcasted_iota(jnp.int32, (W, W), 1)
    swap = jnp.where(ii < DIM, ii + DIM, ii - DIM)
    P = (jj == swap).astype(jnp.float32)
    lmask = (lax.broadcasted_iota(jnp.int32, (1, W), 1) < DIM
             ).astype(jnp.float32)

    def pick(raw, par):
        sw = jnp.dot(raw, P, preferred_element_type=jnp.float32)
        return jnp.where(par == 1, sw, raw) * lmask

    t1c = pick(g_ref[0:K, :], par_ref[0:K, :])
    t2c = pick(g_ref[pl.ds(K + c * K, K), :],
               par_ref[pl.ds(K + c * K, K), :])
    p1 = jnp.dot(t1c, att_ref[...], preferred_element_type=jnp.float32)
    sim = jnp.tanh(lax.dot_general(
        p1, t2c, (((1,), (1,)), ((), ())),
        preferred_element_type=jnp.float32))

    rm = jnp.mean(sim, axis=1, keepdims=True)
    re = jnp.exp(rm - jnp.max(rm))
    rs = re / jnp.sum(re)
    cm = jnp.mean(sim, axis=0, keepdims=True)
    ce = jnp.exp(cm - jnp.max(cm))
    cs = ce / jnp.sum(ce)

    new_a = jnp.sum(t1c * rs, axis=0, keepdims=True)
    new_b = jnp.dot(cs, t2c, preferred_element_type=jnp.float32)
    con = jnp.sum(jnp.dot(new_a, bw_ref[...],
                          preferred_element_type=jnp.float32) * new_b)
    con = con + bb_ref[0, 0]

    a = t1e_ref[...]
    b = st2_ref[pl.ds(c, 1), :]
    num = jnp.sum(a * b)
    den = jnp.sqrt(jnp.sum(a * a)) * jnp.sqrt(jnp.sum(b * b))
    strs = num / jnp.maximum(den, jnp.float32(1e-8))

    y = (1.0 - GAMMA) * strs + GAMMA * con
    out_ref[pl.ds(c, 1), :] = jnp.full((1, 1), 0.0, jnp.float32) + y


def _score_call(g, par, att, bw, bb2, t1e, st2):
    return pl.pallas_call(
        _score_body,
        grid=(CAND,),
        in_specs=[
            pl.BlockSpec((_B_GATHER, 2 * DIM), lambda c: (0, 0)),
            pl.BlockSpec((_B_GATHER, 1), lambda c: (0, 0)),
            pl.BlockSpec((2 * DIM, 2 * DIM), lambda c: (0, 0)),
            pl.BlockSpec((2 * DIM, 2 * DIM), lambda c: (0, 0)),
            pl.BlockSpec((1, 1), lambda c: (0, 0)),
            pl.BlockSpec((1, STR_DIM), lambda c: (0, 0)),
            pl.BlockSpec((CAND, STR_DIM), lambda c: (0, 0)),
        ],
        out_specs=pl.BlockSpec((CAND, 1), lambda c: (0, 0)),
        out_shape=jax.ShapeDtypeStruct((CAND, 1), jnp.float32),
    )(g, par, att, bw, bb2, t1e, st2)


def kernel(t1_embed, str_t2s, t1_pred_context, t2_pred_context,
           context_features, att_mat, bi_w, bi_b):
    pad = VPAD - VOCAB
    x1 = jnp.pad(t1_pred_context, ((0, 0), (0, pad)),
                 constant_values=-jnp.inf).reshape(1, ROWS, LANES)
    x2 = jnp.pad(t2_pred_context, ((0, 0), (0, pad)),
                 constant_values=-jnp.inf).reshape(CAND, ROWS, LANES)

    idx1 = _topk_call(x1)[:, :K]
    idx2 = _topk_call(x2)[:, :K]

    flat_idx = jnp.concatenate([
        idx1.reshape(-1), idx2.reshape(-1),
        jnp.zeros((_B_GATHER - (CAND + 1) * K,), jnp.int32)])
    table2 = context_features.reshape(VOCAB // 2, 2 * DIM)
    g = _gather(table2, flat_idx // 2)
    par = (flat_idx % 2).astype(jnp.int32).reshape(_B_GATHER, 1)

    zpad = ((0, DIM), (0, DIM))
    attp = jnp.pad(att_mat, zpad)
    bwp = jnp.pad(bi_w, zpad)
    y = _score_call(g, par, attp, bwp, bi_b.reshape(1, 1),
                    t1_embed, str_t2s)
    return y.reshape(1, CAND)

# --- scband reference (transcript-rebuilt; emitter-appended) ---
"""Pipeline reference for scband-deep-term-ranking-list-net-52501680226474 (READ-ONLY COPY).

The authoritative reference and input builder live on the scoring server;
editing this copy changes nothing except your own understanding.
"""

import jax, jax.numpy as jnp
import numpy as np

VOCAB = 1000000
DIM = 64
CAND = 50
K = 50
STR_DIM = 128
GAMMA = 0.5


def setup_inputs(seed: int = 0) -> dict:
    key = jax.random.key(seed)
    ks = jax.random.split(key, 8)
    t1_embed = jax.random.normal(ks[0], (1, STR_DIM), dtype=jnp.float32)
    str_t2s = jax.random.normal(ks[1], (CAND, STR_DIM), dtype=jnp.float32)
    t1_pred_context = jax.random.normal(ks[2], (1, VOCAB), dtype=jnp.float32)
    t2_pred_context = jax.random.normal(ks[3], (CAND, VOCAB), dtype=jnp.float32)
    # learned / pretrained parameters
    context_features = jax.random.normal(ks[4], (VOCAB, DIM), dtype=jnp.float32) * 0.1
    initrange = 0.5 / DIM
    att_mat = jax.random.uniform(ks[5], (DIM, DIM), minval=-initrange, maxval=initrange, dtype=jnp.float32)
    bound = 1.0 / np.sqrt(DIM)
    bi_w = jax.random.uniform(ks[6], (DIM, DIM), minval=-bound, maxval=bound, dtype=jnp.float32)
    bi_b = jax.random.uniform(ks[7], (1,), minval=-bound, maxval=bound, dtype=jnp.float32)
    return {
        "t1_embed": t1_embed,
        "str_t2s": str_t2s,
        "t1_pred_context": t1_pred_context,
        "t2_pred_context": t2_pred_context,
        "context_features": context_features,
        "att_mat": att_mat,
        "bi_w": bi_w,
        "bi_b": bi_b,
    }


def _cosine_sim(a, b, eps=1e-8):
    num = jnp.sum(a * b, axis=-1)
    den = jnp.linalg.norm(a, axis=-1) * jnp.linalg.norm(b, axis=-1)
    return num / jnp.maximum(den, eps)


def reference(t1_embed, str_t2s, t1_pred_context, t2_pred_context,
              context_features, att_mat, bi_w, bi_b):
    cand = str_t2s.shape[0]
    # str_t1s = t1_embed.repeat(cand_length, 1); dropout is identity in eval
    str_t1s = jnp.tile(t1_embed, (cand, 1))
    str_score = _cosine_sim(str_t1s, str_t2s)  # [cand]

    # top-k context selection over the full context vocab (topk_masking core)
    _, t1_idx = jax.lax.top_k(t1_pred_context, K)
    t1_idx = t1_idx.reshape(-1)              # [K]
    _, t2_idx = jax.lax.top_k(t2_pred_context, K)  # [cand, K]

    # frozen embedding lookup
    t1_ctx = jnp.take(context_features, t1_idx, axis=0)  # [K, DIM]

    def interact(idx_i):
        t2_ctx = jnp.take(context_features, idx_i, axis=0)  # [K, DIM]
        sim = jnp.tanh(jnp.matmul(jnp.matmul(t1_ctx, att_mat), t2_ctx.T))  # [K, K]
        rows = jax.nn.softmax(jnp.mean(sim, axis=1), axis=0)
        cols = jax.nn.softmax(jnp.mean(sim, axis=0), axis=0)
        new_a = jnp.sum(t1_ctx * rows[:, None], axis=0)
        new_b = jnp.sum(t2_ctx * cols[:, None], axis=0)
        return new_a, new_b

    ctx_t1s, ctx_t2s = jax.vmap(interact)(t2_idx)  # [cand, DIM] each

    # nn.Bilinear(con_dim, con_dim, 1)
    con_score = jnp.einsum('bi,ij,bj->b', ctx_t1s, bi_w, ctx_t2s) + bi_b[0]

    y = ((1.0 - GAMMA) * str_score + GAMMA * con_score).reshape(1, -1)
    return y

if __name__ == "__main__":
    import jax
    _d = setup_inputs()
    print(jax.jit(kernel)(*tuple(_d.values())))

</pallas_src>

<mosaic_0001>
#map = affine_map<(d0, d1) -> (0, 0)>
#map1 = affine_map<(d0, d1) -> (0)>
module attributes {stable_mosaic.version = 14 : i64} {
  func.func @k(%arg0: i32, %arg1: i32, %arg2: memref<500000x128xf32, #tpu.memory_space<hbm>>, %arg3: memref<2560xi32, #tpu.memory_space<hbm>>, %arg4: memref<2560x128xf32, #tpu.memory_space<hbm>>, %arg5: memref<80xi32, #tpu.memory_space<vmem>>, %arg6: memref<80x128xf32, #tpu.memory_space<vmem>>, %arg7: memref<!tpu.dma_semaphore, #tpu.memory_space<semaphore_mem>>) attributes {dimension_semantics = [#tpu.dimension_semantics<core_parallel>, #tpu.dimension_semantics<subcore_parallel>], iteration_bounds = array<i64: 2, 16>, scalar_prefetch = 0 : i64, scratch_operands = 3 : i64, tpu.core_type = #tpu.core_type<sc_vector_subcore>, window_params = [{transform_indices = #map}, {transform_indices = #map1}, {transform_indices = #map}]} {
    %mul3A = arith.constant 2 : i32
    %mul3A_0 = arith.muli %arg1, %mul3A : i32
    %add3A = arith.addi %mul3A_0, %arg0 : i32
    %mul3A_1 = arith.constant 80 : i32
    %mul3A_2 = arith.muli %add3A, %mul3A_1 : i32
    "tpu.region"() ({
      %run_scoped3A = tpu.sem_alloc : memref<!tpu.dma_semaphore, #tpu.memory_space<semaphore_mem>>
      %dma_start3A_7 = tpu.memref_slice %arg3[%mul3A_2] : memref<2560xi32, #tpu.memory_space<hbm>> -> memref<80xi32, #tpu.memory_space<hbm>>
      %dma_start3A_8 = tpu.memref_slice %arg3[%mul3A_2] : memref<2560xi32, #tpu.memory_space<hbm>> -> memref<80xi32, #tpu.memory_space<hbm>>
      tpu.enqueue_dma source(%dma_start3A_8 : memref<80xi32, #tpu.memory_space<hbm>>) target(%arg5 : memref<80xi32, #tpu.memory_space<vmem>>) target_semaphore(%run_scoped3A : memref<!tpu.dma_semaphore, #tpu.memory_space<semaphore_mem>>)
      %dma_wait3A_9 = tpu.memref_slice %arg3[%mul3A_2] : memref<2560xi32, #tpu.memory_space<hbm>> -> memref<80xi32, #tpu.memory_space<hbm>>
      %dma_wait3A_10 = tpu.memref_slice %arg3[%mul3A_2] : memref<2560xi32, #tpu.memory_space<hbm>> -> memref<80xi32, #tpu.memory_space<hbm>>
      tpu.wait_dma2 semaphore(%run_scoped3A : memref<!tpu.dma_semaphore, #tpu.memory_space<semaphore_mem>>) src(%dma_wait3A_10 : memref<80xi32, #tpu.memory_space<hbm>>) dst(%arg5 : memref<80xi32, #tpu.memory_space<vmem>>)
      tpu.yield
    }) : () -> ()
    %dma_start3A = arith.constant 0 : i32
    %dma_start3A_3 = arith.constant 0 : i32
    %dma_start3A_4 = tpu.memref_slice %arg2[%dma_start3A, %dma_start3A_3] : memref<500000x128xf32, #tpu.memory_space<hbm>> -> memref<500000x128xf32, #tpu.memory_space<hbm>>
    tpu.enqueue_indirect_dma source(%dma_start3A_4 : memref<500000x128xf32, #tpu.memory_space<hbm>>) target(%arg6 : memref<80x128xf32, #tpu.memory_space<vmem>>) offsets(%arg5 : memref<80xi32, #tpu.memory_space<vmem>>) semaphore(%arg7 : memref<!tpu.dma_semaphore, #tpu.memory_space<semaphore_mem>>)
    %dma_wait3A = arith.constant 0 : i32
    %dma_wait3A_5 = arith.constant 0 : i32
    %dma_wait3A_6 = tpu.memref_slice %arg2[%dma_wait3A, %dma_wait3A_5] : memref<500000x128xf32, #tpu.memory_space<hbm>> -> memref<500000x128xf32, #tpu.memory_space<hbm>>
    tpu.wait_indirect_dma semaphore(%arg7 : memref<!tpu.dma_semaphore, #tpu.memory_space<semaphore_mem>>) src(%dma_wait3A_6 : memref<500000x128xf32, #tpu.memory_space<hbm>>) dst(%arg6 : memref<80x128xf32, #tpu.memory_space<vmem>>)
    "tpu.region"() ({
      %run_scoped3A = tpu.sem_alloc : memref<!tpu.dma_semaphore, #tpu.memory_space<semaphore_mem>>
      %dma_start3A_7 = arith.constant 0 : i32
      %dma_start3A_8 = tpu.memref_slice %arg4[%mul3A_2, %dma_start3A_7] : memref<2560x128xf32, #tpu.memory_space<hbm>> -> memref<80x128xf32, #tpu.memory_space<hbm>>
      %dma_start3A_9 = arith.constant 0 : i32
      %dma_start3A_10 = tpu.memref_slice %arg4[%mul3A_2, %dma_start3A_9] : memref<2560x128xf32, #tpu.memory_space<hbm>> -> memref<80x128xf32, #tpu.memory_space<hbm>>
      tpu.enqueue_dma source(%arg6 : memref<80x128xf32, #tpu.memory_space<vmem>>) target(%dma_start3A_10 : memref<80x128xf32, #tpu.memory_space<hbm>>) target_semaphore(%run_scoped3A : memref<!tpu.dma_semaphore, #tpu.memory_space<semaphore_mem>>)
      %dma_wait3A_11 = arith.constant 0 : i32
      %dma_wait3A_12 = tpu.memref_slice %arg4[%mul3A_2, %dma_wait3A_11] : memref<2560x128xf32, #tpu.memory_space<hbm>> -> memref<80x128xf32, #tpu.memory_space<hbm>>
      %dma_wait3A_13 = arith.constant 0 : i32
      %dma_wait3A_14 = tpu.memref_slice %arg4[%mul3A_2, %dma_wait3A_13] : memref<2560x128xf32, #tpu.memory_space<hbm>> -> memref<80x128xf32, #tpu.memory_space<hbm>>
      tpu.wait_dma2 semaphore(%run_scoped3A : memref<!tpu.dma_semaphore, #tpu.memory_space<semaphore_mem>>) src(%arg6 : memref<80x128xf32, #tpu.memory_space<vmem>>) dst(%dma_wait3A_14 : memref<80x128xf32, #tpu.memory_space<hbm>>)
      tpu.yield
    }) : () -> ()
    return
  }
}

module attributes {stable_mosaic.version = 14 : i64} {
  func.func @_topk_body(%arg0: i32, %arg1: memref<1x7816x128xf32, #tpu.memory_space<vmem>>, %arg2: memref<1x64xi32, #tpu.memory_space<vmem>>, %arg3: memref<56x128xf32, #tpu.memory_space<vmem>>, %arg4: memref<56x128xi32, #tpu.memory_space<vmem>>) attributes {dimension_semantics = [#tpu.dimension_semantics<arbitrary>], iteration_bounds = array<i64: 1>, scalar_prefetch = 0 : i64, scratch_operands = 2 : i64, tpu.core_type = #tpu.core_type<tc>, window_params = [{transform_indices = @transform_0, window_bounds = array<i64: 1, 7816, 128>}, {pipeline_mode = #tpu.pipeline_mode<synchronous>, transform_indices = @transform_1, window_bounds = array<i64: 1, 64>}]} {
    %iota3A = tpu.iota {dimensions = array<i32: 0>} : vector<7816x128xi32>
    %iota3A_0 = tpu.iota {dimensions = array<i32: 1>} : vector<1x128xi32>
    %broadcast_in_dim3A = arith.constant 0xFF800000 : f32
    %broadcast_in_dim3A_1 = vector.broadcast %broadcast_in_dim3A : f32 to vector<56x128xf32>
    %swap3A = arith.constant 0 : index
    %swap3A_2 = arith.constant 0 : index
    %swap3A_3 = vector.load %arg3[%swap3A, %swap3A_2] : memref<56x128xf32, #tpu.memory_space<vmem>>, vector<56x128xf32>
    tpu.vector_store %arg3[%swap3A, %swap3A_2], %broadcast_in_dim3A_1 {strides = array<i32>} : memref<56x128xf32, #tpu.memory_space<vmem>>, vector<56x128xf32>,
    %broadcast_in_dim3A_4 = arith.constant 0 : i32
    %broadcast_in_dim3A_5 = vector.broadcast %broadcast_in_dim3A_4 : i32 to vector<56x128xi32>
    %swap3A_6 = arith.constant 0 : index
    %swap3A_7 = arith.constant 0 : index
    %swap3A_8 = vector.load %arg4[%swap3A_6, %swap3A_7] : memref<56x128xi32, #tpu.memory_space<vmem>>, vector<56x128xi32>
    tpu.vector_store %arg4[%swap3A_6, %swap3A_7], %broadcast_in_dim3A_5 {strides = array<i32>} : memref<56x128xi32, #tpu.memory_space<vmem>>, vector<56x128xi32>,
    %while3A = arith.constant 0 : i32
    %while3A_9 = arith.constant 0 : i32
    %while3A_10:2 = scf.while (%while3A_21 = %while3A, %while3A_22 = %while3A_9) : (i32, i32) -> (i32, i32) {
      %lt3A = arith.constant 50 : i32
      %lt3A_23 = arith.cmpi slt, %while3A_22, %lt3A : i32
      %lt3A_24 = arith.constant 56 : i32
      %lt3A_25 = arith.cmpi slt, %while3A_21, %lt3A_24 : i32
      %and3A = arith.andi %lt3A_23, %lt3A_25 : i1
      scf.condition(%and3A) %while3A_21, %while3A_22 : i32, i32
    } do {
    ^bb0(%while3A_21: i32, %while3A_22: i32):
      %get3A = arith.constant 0 : index
      %get3A_23 = arith.constant 0 : index
      %get3A_24 = arith.constant 0 : index
      %get3A_25 = vector.load %arg1[%get3A, %get3A_23, %get3A_24] : memref<1x7816x128xf32, #tpu.memory_space<vmem>>, vector<1x7816x128xf32>
      %get3A_26 = vector.shape_cast %get3A_25 : vector<1x7816x128xf32> to vector<7816x128xf32>
      %reduce_max3A = arith.constant dense<0xFF800000> : vector<128xf32>
      %reduce_max3A_27 = vector.multi_reduction <maximumf>, %get3A_26, %reduce_max3A [0] : vector<7816x128xf32> to vector<128xf32>
      %broadcast_in_dim3A_28 = vector.shape_cast %reduce_max3A_27 : vector<128xf32> to vector<1x128xf32>
      %reduce_max3A_29 = vector.shape_cast %broadcast_in_dim3A_28 : vector<1x128xf32> to vector<1x1x128xf32>
      %reduce_max3A_30 = arith.constant dense<0xFF800000> : vector<1xf32>
      %reduce_max3A_31 = vector.multi_reduction <maximumf>, %reduce_max3A_29, %reduce_max3A_30 [1, 2] : vector<1x1x128xf32> to vector<1xf32>
      %reduce_max3A_32 = vector.shape_cast %reduce_max3A_31 : vector<1xf32> to vector<1x1x1xf32>
      %reduce_max3A_33 = vector.extract %reduce_max3A_32[0, 0, 0] : f32 from vector<1x1x1xf32>
      %get3A_34 = arith.constant 0 : index
      %get3A_35 = arith.constant 0 : index
      %get3A_36 = vector.load %arg3[%get3A_34, %get3A_35] : memref<56x128xf32, #tpu.memory_space<vmem>>, vector<56x128xf32>
      %gt3A = vector.broadcast %reduce_max3A_33 : f32 to vector<56x128xf32>
      %gt3A_37 = arith.cmpf ogt, %get3A_36, %gt3A : vector<56x128xf32>
      %convert_element_type3A = arith.extui %gt3A_37 : vector<56x128xi1> to vector<56x128xi32>
      %reduce_sum3A = vector.shape_cast %convert_element_type3A : vector<56x128xi32> to vector<1x56x128xi32>
      %reduce_sum3A_38 = arith.constant dense<0> : vector<1xi32>
      %reduce_sum3A_39 = vector.multi_reduction <add>, %reduce_sum3A, %reduce_sum3A_38 [1, 2] : vector<1x56x128xi32> to vector<1xi32>
      %reduce_sum3A_40 = vector.shape_cast %reduce_sum3A_39 : vector<1xi32> to vector<1x1x1xi32>
      %reduce_sum3A_41 = vector.extract %reduce_sum3A_40[0, 0, 0] : i32 from vector<1x1x1xi32>
      %lt3A = arith.constant 50 : i32
      %lt3A_42 = arith.cmpi slt, %reduce_sum3A_41, %lt3A : i32
      %convert_element_type3A_43 = arith.extui %lt3A_42 : i1 to i32
      %cond3A = arith.constant 0 : i32
      %cond3A_44 = arith.cmpi ne, %convert_element_type3A_43, %cond3A : i32
      scf.if %cond3A_44 {
        %eq3A = vector.broadcast %broadcast_in_dim3A_28 : vector<1x128xf32> to vector<7816x128xf32>
        %eq3A_46 = arith.cmpf oeq, %get3A_26, %eq3A : vector<7816x128xf32>
        %jit3A = arith.constant 1073741824 : i32
        %broadcast_in_dim3A_47 = vector.broadcast %jit3A : i32 to vector<7816x128xi32>
        %select_n3A = arith.select %eq3A_46, %iota3A, %broadcast_in_dim3A_47 : vector<7816x128xi1>, vector<7816x128xi32>
        %reduce_min3A = arith.constant dense<2147483647> : vector<128xi32>
        %reduce_min3A_48 = vector.multi_reduction <minsi>, %select_n3A, %reduce_min3A [0] : vector<7816x128xi32> to vector<128xi32>
        %broadcast_in_dim3A_49 = vector.shape_cast %reduce_min3A_48 : vector<128xi32> to vector<1x128xi32>
        %jit3A_50 = arith.constant 0xFF800000 : f32
        %broadcast_in_dim3A_51 = vector.broadcast %jit3A_50 : f32 to vector<7816x128xf32>
        %select_n3A_52 = arith.select %eq3A_46, %broadcast_in_dim3A_51, %get3A_26 : vector<7816x128xi1>, vector<7816x128xf32>
        %swap3A_53 = arith.constant 0 : index
        %swap3A_54 = arith.constant 0 : index
        %swap3A_55 = arith.constant 0 : index
        %swap3A_56 = vector.load %arg1[%swap3A_53, %swap3A_54, %swap3A_55] : memref<1x7816x128xf32, #tpu.memory_space<vmem>>, vector<1x7816x128xf32>
        %swap3A_57 = vector.shape_cast %swap3A_56 : vector<1x7816x128xf32> to vector<7816x128xf32>
        %swap3A_58 = vector.shape_cast %select_n3A_52 : vector<7816x128xf32> to vector<1x7816x128xf32>
        tpu.vector_store %arg1[%swap3A_53, %swap3A_54, %swap3A_55], %swap3A_58 {strides = array<i32>} : memref<1x7816x128xf32, #tpu.memory_space<vmem>>, vector<1x7816x128xf32>,
        %swap3A_59 = arith.index_cast %while3A_21 : i32 to index
        %swap3A_60 = arith.constant 0 : index
        %swap3A_61 = vector.load %arg3[%swap3A_59, %swap3A_60] : memref<56x128xf32, #tpu.memory_space<vmem>>, vector<1x128xf32>
        tpu.vector_store %arg3[%swap3A_59, %swap3A_60], %broadcast_in_dim3A_28 {strides = array<i32>} : memref<56x128xf32, #tpu.memory_space<vmem>>, vector<1x128xf32>,
        %mul3A = arith.constant 128 : i32
        %mul3A_62 = vector.broadcast %mul3A : i32 to vector<1x128xi32>
        %mul3A_63 = arith.muli %broadcast_in_dim3A_49, %mul3A_62 : vector<1x128xi32>
        %add3A_64 = arith.addi %mul3A_63, %iota3A_0 : vector<1x128xi32>
        %swap3A_65 = arith.index_cast %while3A_21 : i32 to index
        %swap3A_66 = arith.constant 0 : index
        %swap3A_67 = vector.load %arg4[%swap3A_65, %swap3A_66] : memref<56x128xi32, #tpu.memory_space<vmem>>, vector<1x128xi32>
        tpu.vector_store %arg4[%swap3A_65, %swap3A_66], %add3A_64 {strides = array<i32>} : memref<56x128xi32, #tpu.memory_space<vmem>>, vector<1x128xi32>,
      } else {
      }
      %add3A = arith.constant 1 : i32
      %add3A_45 = arith.addi %while3A_21, %add3A : i32
      scf.yield %add3A_45, %reduce_sum3A_41 : i32, i32
    }
    %broadcast_in_dim3A_11 = arith.constant 0 : i32
    %broadcast_in_dim3A_12 = vector.broadcast %broadcast_in_dim3A_11 : i32 to vector<1x64xi32>
    %scan3A = arith.constant 0 : i32
    %scan3A_13 = arith.constant 50 : i32
    %scan3A_14 = arith.addi %scan3A, %scan3A_13 : i32
    %scan3A_15 = arith.constant 1 : i32
    %scan3A_16 = scf.for %scan3A_21 = %scan3A to %scan3A_14 step %scan3A_15 iter_args(%scan3A_22 = %broadcast_in_dim3A_12) -> (vector<1x64xi32>)  : i32 {
      %get3A = arith.constant 0 : index
      %get3A_23 = arith.constant 0 : index
      %get3A_24 = vector.load %arg3[%get3A, %get3A_23] : memref<56x128xf32, #tpu.memory_space<vmem>>, vector<56x128xf32>
      %reduce_max3A = vector.shape_cast %get3A_24 : vector<56x128xf32> to vector<1x56x128xf32>
      %reduce_max3A_25 = arith.constant dense<0xFF800000> : vector<1xf32>
      %reduce_max3A_26 = vector.multi_reduction <maximumf>, %reduce_max3A, %reduce_max3A_25 [1, 2] : vector<1x56x128xf32> to vector<1xf32>
      %reduce_max3A_27 = vector.shape_cast %reduce_max3A_26 : vector<1xf32> to vector<1x1x1xf32>
      %reduce_max3A_28 = vector.extract %reduce_max3A_27[0, 0, 0] : f32 from vector<1x1x1xf32>
      %eq3A = vector.broadcast %reduce_max3A_28 : f32 to vector<56x128xf32>
      %eq3A_29 = arith.cmpf oeq, %get3A_24, %eq3A : vector<56x128xf32>
      %get3A_30 = arith.constant 0 : index
      %get3A_31 = arith.constant 0 : index
      %get3A_32 = vector.load %arg4[%get3A_30, %get3A_31] : memref<56x128xi32, #tpu.memory_space<vmem>>, vector<56x128xi32>
      %jit3A = arith.constant 1073741824 : i32
      %broadcast_in_dim3A_33 = vector.broadcast %jit3A : i32 to vector<56x128xi32>
      %select_n3A = arith.select %eq3A_29, %get3A_32, %broadcast_in_dim3A_33 : vector<56x128xi1>, vector<56x128xi32>
      %reduce_min3A = vector.shape_cast %select_n3A : vector<56x128xi32> to vector<1x56x128xi32>
      %reduce_min3A_34 = arith.constant dense<2147483647> : vector<1xi32>
      %reduce_min3A_35 = vector.multi_reduction <minsi>, %reduce_min3A, %reduce_min3A_34 [1, 2] : vector<1x56x128xi32> to vector<1xi32>
      %reduce_min3A_36 = vector.shape_cast %reduce_min3A_35 : vector<1xi32> to vector<1x1x1xi32>
      %reduce_min3A_37 = vector.extract %reduce_min3A_36[0, 0, 0] : i32 from vector<1x1x1xi32>
      %get3A_38 = arith.constant 0 : index
      %get3A_39 = arith.constant 0 : index
      %get3A_40 = vector.load %arg4[%get3A_38, %get3A_39] : memref<56x128xi32, #tpu.memory_space<vmem>>, vector<56x128xi32>
      %eq3A_41 = vector.broadcast %reduce_min3A_37 : i32 to vector<56x128xi32>
      %eq3A_42 = arith.cmpi eq, %get3A_40, %eq3A_41 : vector<56x128xi32>
      %and3A = arith.andi %eq3A_29, %eq3A_42 : vector<56x128xi1>
      %jit3A_43 = arith.constant 0xFF800000 : f32
      %broadcast_in_dim3A_44 = vector.broadcast %jit3A_43 : f32 to vector<56x128xf32>
      %select_n3A_45 = arith.select %and3A, %broadcast_in_dim3A_44, %get3A_24 : vector<56x128xi1>, vector<56x128xf32>
      %swap3A_46 = arith.constant 0 : index
      %swap3A_47 = arith.constant 0 : index
      %swap3A_48 = vector.load %arg3[%swap3A_46, %swap3A_47] : memref<56x128xf32, #tpu.memory_space<vmem>>, vector<56x128xf32>
      tpu.vector_store %arg3[%swap3A_46, %swap3A_47], %select_n3A_45 {strides = array<i32>} : memref<56x128xf32, #tpu.memory_space<vmem>>, vector<56x128xf32>,
      %iota3A_49 = tpu.iota {dimensions = array<i32: 1>} : vector<1x64xi32>
      %eq3A_50 = vector.broadcast %scan3A_21 : i32 to vector<1x64xi32>
      %eq3A_51 = arith.cmpi eq, %iota3A_49, %eq3A_50 : vector<1x64xi32>
      %broadcast_in_dim3A_52 = vector.broadcast %reduce_min3A_37 : i32 to vector<1x64xi32>
      %select_n3A_53 = arith.select %eq3A_51, %broadcast_in_dim3A_52, %scan3A_22 : vector<1x64xi1>, vector<1x64xi32>
      scf.yield %select_n3A_53 : vector<1x64xi32>
    }
    %scan3A_17 = arith.constant 50 : i32
    %swap3A_18 = arith.index_cast %arg0 : i32 to index
    %swap3A_19 = arith.constant 0 : index
    %swap3A_20 = vector.load %arg2[%swap3A_18, %swap3A_19] : memref<1x64xi32, #tpu.memory_space<vmem>>, vector<1x64xi32>
    tpu.vector_store %arg2[%swap3A_18, %swap3A_19], %scan3A_16 {strides = array<i32>} : memref<1x64xi32, #tpu.memory_space<vmem>>, vector<1x64xi32>,
    return
  }
  func.func @transform_0(%arg0: i32) -> (i32, i32, i32) {
    %c0_i32 = arith.constant 0 : i32
    %c0_i32_0 = arith.constant 0 : i32
    %c0_i32_1 = arith.constant 0 : i32
    return %arg0, %c0_i32, %c0_i32_0 : i32, i32, i32
  }
  func.func @transform_1(%arg0: i32) -> (i32, i32) {
    %c0_i32 = arith.constant 0 : i32
    %c0_i32_0 = arith.constant 0 : i32
    %c0_i32_1 = arith.constant 0 : i32
    return %c0_i32, %c0_i32_0 : i32, i32
  }
}

module attributes {stable_mosaic.version = 14 : i64} {
  func.func @_topk_body(%arg0: i32, %arg1: memref<1x7816x128xf32, #tpu.memory_space<vmem>>, %arg2: memref<50x64xi32, #tpu.memory_space<vmem>>, %arg3: memref<56x128xf32, #tpu.memory_space<vmem>>, %arg4: memref<56x128xi32, #tpu.memory_space<vmem>>) attributes {dimension_semantics = [#tpu.dimension_semantics<arbitrary>], iteration_bounds = array<i64: 50>, scalar_prefetch = 0 : i64, scratch_operands = 2 : i64, tpu.core_type = #tpu.core_type<tc>, window_params = [{transform_indices = @transform_0, window_bounds = array<i64: 1, 7816, 128>}, {pipeline_mode = #tpu.pipeline_mode<synchronous>, transform_indices = @transform_1, window_bounds = array<i64: 50, 64>}]} {
    %iota3A = tpu.iota {dimensions = array<i32: 0>} : vector<7816x128xi32>
    %iota3A_0 = tpu.iota {dimensions = array<i32: 1>} : vector<1x128xi32>
    %broadcast_in_dim3A = arith.constant 0xFF800000 : f32
    %broadcast_in_dim3A_1 = vector.broadcast %broadcast_in_dim3A : f32 to vector<56x128xf32>
    %swap3A = arith.constant 0 : index
    %swap3A_2 = arith.constant 0 : index
    %swap3A_3 = vector.load %arg3[%swap3A, %swap3A_2] : memref<56x128xf32, #tpu.memory_space<vmem>>, vector<56x128xf32>
    tpu.vector_store %arg3[%swap3A, %swap3A_2], %broadcast_in_dim3A_1 {strides = array<i32>} : memref<56x128xf32, #tpu.memory_space<vmem>>, vector<56x128xf32>,
    %broadcast_in_dim3A_4 = arith.constant 0 : i32
    %broadcast_in_dim3A_5 = vector.broadcast %broadcast_in_dim3A_4 : i32 to vector<56x128xi32>
    %swap3A_6 = arith.constant 0 : index
    %swap3A_7 = arith.constant 0 : index
    %swap3A_8 = vector.load %arg4[%swap3A_6, %swap3A_7] : memref<56x128xi32, #tpu.memory_space<vmem>>, vector<56x128xi32>
    tpu.vector_store %arg4[%swap3A_6, %swap3A_7], %broadcast_in_dim3A_5 {strides = array<i32>} : memref<56x128xi32, #tpu.memory_space<vmem>>, vector<56x128xi32>,
    %while3A = arith.constant 0 : i32
    %while3A_9 = arith.constant 0 : i32
    %while3A_10:2 = scf.while (%while3A_21 = %while3A, %while3A_22 = %while3A_9) : (i32, i32) -> (i32, i32) {
      %lt3A = arith.constant 50 : i32
      %lt3A_23 = arith.cmpi slt, %while3A_22, %lt3A : i32
      %lt3A_24 = arith.constant 56 : i32
      %lt3A_25 = arith.cmpi slt, %while3A_21, %lt3A_24 : i32
      %and3A = arith.andi %lt3A_23, %lt3A_25 : i1
      scf.condition(%and3A) %while3A_21, %while3A_22 : i32, i32
    } do {
    ^bb0(%while3A_21: i32, %while3A_22: i32):
      %get3A = arith.constant 0 : index
      %get3A_23 = arith.constant 0 : index
      %get3A_24 = arith.constant 0 : index
      %get3A_25 = vector.load %arg1[%get3A, %get3A_23, %get3A_24] : memref<1x7816x128xf32, #tpu.memory_space<vmem>>, vector<1x7816x128xf32>
      %get3A_26 = vector.shape_cast %get3A_25 : vector<1x7816x128xf32> to vector<7816x128xf32>
      %reduce_max3A = arith.constant dense<0xFF800000> : vector<128xf32>
      %reduce_max3A_27 = vector.multi_reduction <maximumf>, %get3A_26, %reduce_max3A [0] : vector<7816x128xf32> to vector<128xf32>
      %broadcast_in_dim3A_28 = vector.shape_cast %reduce_max3A_27 : vector<128xf32> to vector<1x128xf32>
      %reduce_max3A_29 = vector.shape_cast %broadcast_in_dim3A_28 : vector<1x128xf32> to vector<1x1x128xf32>
      %reduce_max3A_30 = arith.constant dense<0xFF800000> : vector<1xf32>
      %reduce_max3A_31 = vector.multi_reduction <maximumf>, %reduce_max3A_29, %reduce_max3A_30 [1, 2] : vector<1x1x128xf32> to vector<1xf32>
      %reduce_max3A_32 = vector.shape_cast %reduce_max3A_31 : vector<1xf32> to vector<1x1x1xf32>
      %reduce_max3A_33 = vector.extract %reduce_max3A_32[0, 0, 0] : f32 from vector<1x1x1xf32>
      %get3A_34 = arith.constant 0 : index
      %get3A_35 = arith.constant 0 : index
      %get3A_36 = vector.load %arg3[%get3A_34, %get3A_35] : memref<56x128xf32, #tpu.memory_space<vmem>>, vector<56x128xf32>
      %gt3A = vector.broadcast %reduce_max3A_33 : f32 to vector<56x128xf32>
      %gt3A_37 = arith.cmpf ogt, %get3A_36, %gt3A : vector<56x128xf32>
      %convert_element_type3A = arith.extui %gt3A_37 : vector<56x128xi1> to vector<56x128xi32>
      %reduce_sum3A = vector.shape_cast %convert_element_type3A : vector<56x128xi32> to vector<1x56x128xi32>
      %reduce_sum3A_38 = arith.constant dense<0> : vector<1xi32>
      %reduce_sum3A_39 = vector.multi_reduction <add>, %reduce_sum3A, %reduce_sum3A_38 [1, 2] : vector<1x56x128xi32> to vector<1xi32>
      %reduce_sum3A_40 = vector.shape_cast %reduce_sum3A_39 : vector<1xi32> to vector<1x1x1xi32>
      %reduce_sum3A_41 = vector.extract %reduce_sum3A_40[0, 0, 0] : i32 from vector<1x1x1xi32>
      %lt3A = arith.constant 50 : i32
      %lt3A_42 = arith.cmpi slt, %reduce_sum3A_41, %lt3A : i32
      %convert_element_type3A_43 = arith.extui %lt3A_42 : i1 to i32
      %cond3A = arith.constant 0 : i32
      %cond3A_44 = arith.cmpi ne, %convert_element_type3A_43, %cond3A : i32
      scf.if %cond3A_44 {
        %eq3A = vector.broadcast %broadcast_in_dim3A_28 : vector<1x128xf32> to vector<7816x128xf32>
        %eq3A_46 = arith.cmpf oeq, %get3A_26, %eq3A : vector<7816x128xf32>
        %jit3A = arith.constant 1073741824 : i32
        %broadcast_in_dim3A_47 = vector.broadcast %jit3A : i32 to vector<7816x128xi32>
        %select_n3A = arith.select %eq3A_46, %iota3A, %broadcast_in_dim3A_47 : vector<7816x128xi1>, vector<7816x128xi32>
        %reduce_min3A = arith.constant dense<2147483647> : vector<128xi32>
        %reduce_min3A_48 = vector.multi_reduction <minsi>, %select_n3A, %reduce_min3A [0] : vector<7816x128xi32> to vector<128xi32>
        %broadcast_in_dim3A_49 = vector.shape_cast %reduce_min3A_48 : vector<128xi32> to vector<1x128xi32>
        %jit3A_50 = arith.constant 0xFF800000 : f32
        %broadcast_in_dim3A_51 = vector.broadcast %jit3A_50 : f32 to vector<7816x128xf32>
        %select_n3A_52 = arith.select %eq3A_46, %broadcast_in_dim3A_51, %get3A_26 : vector<7816x128xi1>, vector<7816x128xf32>
        %swap3A_53 = arith.constant 0 : index
        %swap3A_54 = arith.constant 0 : index
        %swap3A_55 = arith.constant 0 : index
        %swap3A_56 = vector.load %arg1[%swap3A_53, %swap3A_54, %swap3A_55] : memref<1x7816x128xf32, #tpu.memory_space<vmem>>, vector<1x7816x128xf32>
        %swap3A_57 = vector.shape_cast %swap3A_56 : vector<1x7816x128xf32> to vector<7816x128xf32>
        %swap3A_58 = vector.shape_cast %select_n3A_52 : vector<7816x128xf32> to vector<1x7816x128xf32>
        tpu.vector_store %arg1[%swap3A_53, %swap3A_54, %swap3A_55], %swap3A_58 {strides = array<i32>} : memref<1x7816x128xf32, #tpu.memory_space<vmem>>, vector<1x7816x128xf32>,
        %swap3A_59 = arith.index_cast %while3A_21 : i32 to index
        %swap3A_60 = arith.constant 0 : index
        %swap3A_61 = vector.load %arg3[%swap3A_59, %swap3A_60] : memref<56x128xf32, #tpu.memory_space<vmem>>, vector<1x128xf32>
        tpu.vector_store %arg3[%swap3A_59, %swap3A_60], %broadcast_in_dim3A_28 {strides = array<i32>} : memref<56x128xf32, #tpu.memory_space<vmem>>, vector<1x128xf32>,
        %mul3A = arith.constant 128 : i32
        %mul3A_62 = vector.broadcast %mul3A : i32 to vector<1x128xi32>
        %mul3A_63 = arith.muli %broadcast_in_dim3A_49, %mul3A_62 : vector<1x128xi32>
        %add3A_64 = arith.addi %mul3A_63, %iota3A_0 : vector<1x128xi32>
        %swap3A_65 = arith.index_cast %while3A_21 : i32 to index
        %swap3A_66 = arith.constant 0 : index
        %swap3A_67 = vector.load %arg4[%swap3A_65, %swap3A_66] : memref<56x128xi32, #tpu.memory_space<vmem>>, vector<1x128xi32>
        tpu.vector_store %arg4[%swap3A_65, %swap3A_66], %add3A_64 {strides = array<i32>} : memref<56x128xi32, #tpu.memory_space<vmem>>, vector<1x128xi32>,
      } else {
      }
      %add3A = arith.constant 1 : i32
      %add3A_45 = arith.addi %while3A_21, %add3A : i32
      scf.yield %add3A_45, %reduce_sum3A_41 : i32, i32
    }
    %broadcast_in_dim3A_11 = arith.constant 0 : i32
    %broadcast_in_dim3A_12 = vector.broadcast %broadcast_in_dim3A_11 : i32 to vector<1x64xi32>
    %scan3A = arith.constant 0 : i32
    %scan3A_13 = arith.constant 50 : i32
    %scan3A_14 = arith.addi %scan3A, %scan3A_13 : i32
    %scan3A_15 = arith.constant 1 : i32
    %scan3A_16 = scf.for %scan3A_21 = %scan3A to %scan3A_14 step %scan3A_15 iter_args(%scan3A_22 = %broadcast_in_dim3A_12) -> (vector<1x64xi32>)  : i32 {
      %get3A = arith.constant 0 : index
      %get3A_23 = arith.constant 0 : index
      %get3A_24 = vector.load %arg3[%get3A, %get3A_23] : memref<56x128xf32, #tpu.memory_space<vmem>>, vector<56x128xf32>
      %reduce_max3A = vector.shape_cast %get3A_24 : vector<56x128xf32> to vector<1x56x128xf32>
      %reduce_max3A_25 = arith.constant dense<0xFF800000> : vector<1xf32>
      %reduce_max3A_26 = vector.multi_reduction <maximumf>, %reduce_max3A, %reduce_max3A_25 [1, 2] : vector<1x56x128xf32> to vector<1xf32>
      %reduce_max3A_27 = vector.shape_cast %reduce_max3A_26 : vector<1xf32> to vector<1x1x1xf32>
      %reduce_max3A_28 = vector.extract %reduce_max3A_27[0, 0, 0] : f32 from vector<1x1x1xf32>
      %eq3A = vector.broadcast %reduce_max3A_28 : f32 to vector<56x128xf32>
      %eq3A_29 = arith.cmpf oeq, %get3A_24, %eq3A : vector<56x128xf32>
      %get3A_30 = arith.constant 0 : index
      %get3A_31 = arith.constant 0 : index
      %get3A_32 = vector.load %arg4[%get3A_30, %get3A_31] : memref<56x128xi32, #tpu.memory_space<vmem>>, vector<56x128xi32>
      %jit3A = arith.constant 1073741824 : i32
      %broadcast_in_dim3A_33 = vector.broadcast %jit3A : i32 to vector<56x128xi32>
      %select_n3A = arith.select %eq3A_29, %get3A_32, %broadcast_in_dim3A_33 : vector<56x128xi1>, vector<56x128xi32>
      %reduce_min3A = vector.shape_cast %select_n3A : vector<56x128xi32> to vector<1x56x128xi32>
      %reduce_min3A_34 = arith.constant dense<2147483647> : vector<1xi32>
      %reduce_min3A_35 = vector.multi_reduction <minsi>, %reduce_min3A, %reduce_min3A_34 [1, 2] : vector<1x56x128xi32> to vector<1xi32>
      %reduce_min3A_36 = vector.shape_cast %reduce_min3A_35 : vector<1xi32> to vector<1x1x1xi32>
      %reduce_min3A_37 = vector.extract %reduce_min3A_36[0, 0, 0] : i32 from vector<1x1x1xi32>
      %get3A_38 = arith.constant 0 : index
      %get3A_39 = arith.constant 0 : index
      %get3A_40 = vector.load %arg4[%get3A_38, %get3A_39] : memref<56x128xi32, #tpu.memory_space<vmem>>, vector<56x128xi32>
      %eq3A_41 = vector.broadcast %reduce_min3A_37 : i32 to vector<56x128xi32>
      %eq3A_42 = arith.cmpi eq, %get3A_40, %eq3A_41 : vector<56x128xi32>
      %and3A = arith.andi %eq3A_29, %eq3A_42 : vector<56x128xi1>
      %jit3A_43 = arith.constant 0xFF800000 : f32
      %broadcast_in_dim3A_44 = vector.broadcast %jit3A_43 : f32 to vector<56x128xf32>
      %select_n3A_45 = arith.select %and3A, %broadcast_in_dim3A_44, %get3A_24 : vector<56x128xi1>, vector<56x128xf32>
      %swap3A_46 = arith.constant 0 : index
      %swap3A_47 = arith.constant 0 : index
      %swap3A_48 = vector.load %arg3[%swap3A_46, %swap3A_47] : memref<56x128xf32, #tpu.memory_space<vmem>>, vector<56x128xf32>
      tpu.vector_store %arg3[%swap3A_46, %swap3A_47], %select_n3A_45 {strides = array<i32>} : memref<56x128xf32, #tpu.memory_space<vmem>>, vector<56x128xf32>,
      %iota3A_49 = tpu.iota {dimensions = array<i32: 1>} : vector<1x64xi32>
      %eq3A_50 = vector.broadcast %scan3A_21 : i32 to vector<1x64xi32>
      %eq3A_51 = arith.cmpi eq, %iota3A_49, %eq3A_50 : vector<1x64xi32>
      %broadcast_in_dim3A_52 = vector.broadcast %reduce_min3A_37 : i32 to vector<1x64xi32>
      %select_n3A_53 = arith.select %eq3A_51, %broadcast_in_dim3A_52, %scan3A_22 : vector<1x64xi1>, vector<1x64xi32>
      scf.yield %select_n3A_53 : vector<1x64xi32>
    }
    %scan3A_17 = arith.constant 50 : i32
    %swap3A_18 = arith.index_cast %arg0 : i32 to index
    %swap3A_19 = arith.constant 0 : index
    %swap3A_20 = vector.load %arg2[%swap3A_18, %swap3A_19] : memref<50x64xi32, #tpu.memory_space<vmem>>, vector<1x64xi32>
    tpu.vector_store %arg2[%swap3A_18, %swap3A_19], %scan3A_16 {strides = array<i32>} : memref<50x64xi32, #tpu.memory_space<vmem>>, vector<1x64xi32>,
    return
  }
  func.func @transform_0(%arg0: i32) -> (i32, i32, i32) {
    %c0_i32 = arith.constant 0 : i32
    %c0_i32_0 = arith.constant 0 : i32
    %c0_i32_1 = arith.constant 0 : i32
    return %arg0, %c0_i32, %c0_i32_0 : i32, i32, i32
  }
  func.func @transform_1(%arg0: i32) -> (i32, i32) {
    %c0_i32 = arith.constant 0 : i32
    %c0_i32_0 = arith.constant 0 : i32
    %c0_i32_1 = arith.constant 0 : i32
    return %c0_i32, %c0_i32_0 : i32, i32
  }
}

module attributes {stable_mosaic.version = 14 : i64} {
  func.func @_score_body(%arg0: i32, %arg1: memref<2560x128xf32, #tpu.memory_space<vmem>>, %arg2: memref<2560x1xi32, #tpu.memory_space<vmem>>, %arg3: memref<128x128xf32, #tpu.memory_space<vmem>>, %arg4: memref<128x128xf32, #tpu.memory_space<vmem>>, %arg5: memref<1x1xf32, #tpu.memory_space<vmem>>, %arg6: memref<1x128xf32, #tpu.memory_space<vmem>>, %arg7: memref<50x128xf32, #tpu.memory_space<vmem>>, %arg8: memref<50x1xf32, #tpu.memory_space<vmem>>) attributes {dimension_semantics = [#tpu.dimension_semantics<arbitrary>], iteration_bounds = array<i64: 50>, scalar_prefetch = 0 : i64, scratch_operands = 0 : i64, tpu.core_type = #tpu.core_type<tc>, window_params = [{pipeline_mode = #tpu.pipeline_mode<synchronous>, transform_indices = @transform_0, window_bounds = array<i64: 2560, 128>}, {pipeline_mode = #tpu.pipeline_mode<synchronous>, transform_indices = @transform_1, window_bounds = array<i64: 2560, 1>}, {pipeline_mode = #tpu.pipeline_mode<synchronous>, transform_indices = @transform_2, window_bounds = array<i64: 128, 128>}, {pipeline_mode = #tpu.pipeline_mode<synchronous>, transform_indices = @transform_3, window_bounds = array<i64: 128, 128>}, {pipeline_mode = #tpu.pipeline_mode<synchronous>, transform_indices = @transform_4, window_bounds = array<i64: 1, 1>}, {pipeline_mode = #tpu.pipeline_mode<synchronous>, transform_indices = @transform_5, window_bounds = array<i64: 1, 128>}, {pipeline_mode = #tpu.pipeline_mode<synchronous>, transform_indices = @transform_6, window_bounds = array<i64: 50, 128>}, {pipeline_mode = #tpu.pipeline_mode<synchronous>, transform_indices = @transform_7, window_bounds = array<i64: 50, 1>}]} {
    %iota3A = tpu.iota {dimensions = array<i32: 0>} : vector<128x128xi32>
    %iota3A_0 = tpu.iota {dimensions = array<i32: 1>} : vector<128x128xi32>
    %lt3A = arith.constant 64 : i32
    %lt3A_1 = vector.broadcast %lt3A : i32 to vector<128x128xi32>
    %lt3A_2 = arith.cmpi slt, %iota3A, %lt3A_1 : vector<128x128xi32>
    %add3A = arith.constant 64 : i32
    %add3A_3 = vector.broadcast %add3A : i32 to vector<128x128xi32>
    %add3A_4 = arith.addi %iota3A, %add3A_3 : vector<128x128xi32>
    %sub3A = arith.constant 64 : i32
    %sub3A_5 = vector.broadcast %sub3A : i32 to vector<128x128xi32>
    %sub3A_6 = arith.subi %iota3A, %sub3A_5 : vector<128x128xi32>
    %select_n3A = arith.select %lt3A_2, %add3A_4, %sub3A_6 : vector<128x128xi1>, vector<128x128xi32>
    %eq3A = arith.cmpi eq, %iota3A_0, %select_n3A : vector<128x128xi32>
    %convert_element_type3A = arith.extui %eq3A : vector<128x128xi1> to vector<128x128xi32>
    %convert_element_type3A_7 = arith.sitofp %convert_element_type3A : vector<128x128xi32> to vector<128x128xf32>
    %iota3A_8 = tpu.iota {dimensions = array<i32: 1>} : vector<1x128xi32>
    %lt3A_9 = arith.constant 64 : i32
    %lt3A_10 = vector.broadcast %lt3A_9 : i32 to vector<1x128xi32>
    %lt3A_11 = arith.cmpi slt, %iota3A_8, %lt3A_10 : vector<1x128xi32>
    %convert_element_type3A_12 = arith.extui %lt3A_11 : vector<1x128xi1> to vector<1x128xi32>
    %convert_element_type3A_13 = arith.sitofp %convert_element_type3A_12 : vector<1x128xi32> to vector<1x128xf32>
    %get3A = arith.constant 0 : index
    %get3A_14 = arith.constant 0 : index
    %get3A_15 = vector.load %arg1[%get3A, %get3A_14] : memref<2560x128xf32, #tpu.memory_space<vmem>>, vector<50x128xf32>
    %get3A_16 = arith.constant 0 : index
    %get3A_17 = arith.constant 0 : index
    %get3A_18 = vector.load %arg2[%get3A_16, %get3A_17] : memref<2560x1xi32, #tpu.memory_space<vmem>>, vector<50x1xi32>
    %dot_general3A = arith.constant dense<0.000000e+00> : vector<50x128xf32>
    %dot_general3A_19 = tpu.matmul %get3A_15, %convert_element_type3A_7, %dot_general3A {dimension_numbers = #tpu.dot_dimension_numbers<[1], [0], [0], [1], [0, 0, 1, 1], [], []>, transpose_lhs_hint = false} : vector<50x128xf32>, vector<128x128xf32>, vector<50x128xf32> -> vector<50x128xf32>
    %eq3A_20 = arith.constant 1 : i32
    %eq3A_21 = vector.broadcast %eq3A_20 : i32 to vector<50x1xi32>
    %eq3A_22 = arith.cmpi eq, %get3A_18, %eq3A_21 : vector<50x1xi32>
    %broadcast_in_dim3A = vector.shape_cast %eq3A_22 : vector<50x1xi1> to vector<50x1xi1>
    %broadcast_in_dim3A_23 = vector.broadcast %broadcast_in_dim3A : vector<50x1xi1> to vector<50x128xi1>
    %select_n3A_24 = arith.select %broadcast_in_dim3A_23, %dot_general3A_19, %get3A_15 : vector<50x128xi1>, vector<50x128xf32>
    %mul3A = vector.broadcast %convert_element_type3A_13 : vector<1x128xf32> to vector<50x128xf32>
    %mul3A_25 = arith.mulf %select_n3A_24, %mul3A : vector<50x128xf32>
    %mul3A_26 = arith.constant 50 : i32
    %mul3A_27 = arith.muli %arg0, %mul3A_26 : i32
    %add3A_28 = arith.constant 50 : i32
    %add3A_29 = arith.addi %add3A_28, %mul3A_27 : i32
    %get3A_30 = arith.index_cast %add3A_29 : i32 to index
    %get3A_31 = arith.constant 0 : index
    %get3A_32 = vector.load %arg1[%get3A_30, %get3A_31] : memref<2560x128xf32, #tpu.memory_space<vmem>>, vector<50x128xf32>
    %mul3A_33 = arith.constant 50 : i32
    %mul3A_34 = arith.muli %arg0, %mul3A_33 : i32
    %add3A_35 = arith.constant 50 : i32
    %add3A_36 = arith.addi %add3A_35, %mul3A_34 : i32
    %get3A_37 = arith.index_cast %add3A_36 : i32 to index
    %get3A_38 = arith.constant 0 : index
    %get3A_39 = vector.load %arg2[%get3A_37, %get3A_38] : memref<2560x1xi32, #tpu.memory_space<vmem>>, vector<50x1xi32>
    %dot_general3A_40 = arith.constant dense<0.000000e+00> : vector<50x128xf32>
    %dot_general3A_41 = tpu.matmul %get3A_32, %convert_element_type3A_7, %dot_general3A_40 {dimension_numbers = #tpu.dot_dimension_numbers<[1], [0], [0], [1], [0, 0, 1, 1], [], []>, transpose_lhs_hint = false} : vector<50x128xf32>, vector<128x128xf32>, vector<50x128xf32> -> vector<50x128xf32>
    %eq3A_42 = arith.constant 1 : i32
    %eq3A_43 = vector.broadcast %eq3A_42 : i32 to vector<50x1xi32>
    %eq3A_44 = arith.cmpi eq, %get3A_39, %eq3A_43 : vector<50x1xi32>
    %broadcast_in_dim3A_45 = vector.shape_cast %eq3A_44 : vector<50x1xi1> to vector<50x1xi1>
    %broadcast_in_dim3A_46 = vector.broadcast %broadcast_in_dim3A_45 : vector<50x1xi1> to vector<50x128xi1>
    %select_n3A_47 = arith.select %broadcast_in_dim3A_46, %dot_general3A_41, %get3A_32 : vector<50x128xi1>, vector<50x128xf32>
    %mul3A_48 = vector.broadcast %convert_element_type3A_13 : vector<1x128xf32> to vector<50x128xf32>
    %mul3A_49 = arith.mulf %select_n3A_47, %mul3A_48 : vector<50x128xf32>
    %get3A_50 = arith.constant 0 : index
    %get3A_51 = arith.constant 0 : index
    %get3A_52 = vector.load %arg3[%get3A_50, %get3A_51] : memref<128x128xf32, #tpu.memory_space<vmem>>, vector<128x128xf32>
    %dot_general3A_53 = arith.constant dense<0.000000e+00> : vector<50x128xf32>
    %dot_general3A_54 = tpu.matmul %mul3A_25, %get3A_52, %dot_general3A_53 {dimension_numbers = #tpu.dot_dimension_numbers<[1], [0], [0], [1], [0, 0, 1, 1], [], []>, transpose_lhs_hint = false} : vector<50x128xf32>, vector<128x128xf32>, vector<50x128xf32> -> vector<50x128xf32>
    %dot_general3A_55 = arith.constant dense<0.000000e+00> : vector<50x50xf32>
    %dot_general3A_56 = tpu.matmul %dot_general3A_54, %mul3A_49, %dot_general3A_55 {dimension_numbers = #tpu.dot_dimension_numbers<[1], [1], [0], [0], [0, 0, 1, 0], [], []>, transpose_lhs_hint = false} : vector<50x128xf32>, vector<50x128xf32>, vector<50x50xf32> -> vector<50x50xf32>
    %tanh3A = math.tanh %dot_general3A_56 : vector<50x50xf32>
    %reduce_sum3A = arith.constant dense<0.000000e+00> : vector<50xf32>
    %reduce_sum3A_57 = vector.multi_reduction <add>, %tanh3A, %reduce_sum3A [1] : vector<50x50xf32> to vector<50xf32>
    %broadcast_in_dim3A_58 = vector.shape_cast %reduce_sum3A_57 : vector<50xf32> to vector<50x1xf32>
    %div3A = arith.constant 5.000000e+01 : f32
    %div3A_59 = vector.broadcast %div3A : f32 to vector<50x1xf32>
    %div3A_60 = arith.divf %broadcast_in_dim3A_58, %div3A_59 : vector<50x1xf32>
    %reduce_max3A = vector.shape_cast %div3A_60 : vector<50x1xf32> to vector<1x50x1xf32>
    %reduce_max3A_61 = arith.constant dense<0xFF800000> : vector<1xf32>
    %reduce_max3A_62 = vector.multi_reduction <maximumf>, %reduce_max3A, %reduce_max3A_61 [1, 2] : vector<1x50x1xf32> to vector<1xf32>
    %reduce_max3A_63 = vector.shape_cast %reduce_max3A_62 : vector<1xf32> to vector<1x1x1xf32>
    %reduce_max3A_64 = vector.extract %reduce_max3A_63[0, 0, 0] : f32 from vector<1x1x1xf32>
    %sub3A_65 = vector.broadcast %reduce_max3A_64 : f32 to vector<50x1xf32>
    %sub3A_66 = arith.subf %div3A_60, %sub3A_65 : vector<50x1xf32>
    %exp3A = math.exp %sub3A_66 : vector<50x1xf32>
    %reduce_sum3A_67 = vector.shape_cast %exp3A : vector<50x1xf32> to vector<1x50x1xf32>
    %reduce_sum3A_68 = arith.constant dense<0.000000e+00> : vector<1xf32>
    %reduce_sum3A_69 = vector.multi_reduction <add>, %reduce_sum3A_67, %reduce_sum3A_68 [1, 2] : vector<1x50x1xf32> to vector<1xf32>
    %reduce_sum3A_70 = vector.shape_cast %reduce_sum3A_69 : vector<1xf32> to vector<1x1x1xf32>
    %reduce_sum3A_71 = vector.extract %reduce_sum3A_70[0, 0, 0] : f32 from vector<1x1x1xf32>
    %div3A_72 = vector.broadcast %reduce_sum3A_71 : f32 to vector<50x1xf32>
    %div3A_73 = arith.divf %exp3A, %div3A_72 : vector<50x1xf32>
    %reduce_sum3A_74 = arith.constant dense<0.000000e+00> : vector<50xf32>
    %reduce_sum3A_75 = vector.multi_reduction <add>, %tanh3A, %reduce_sum3A_74 [0] : vector<50x50xf32> to vector<50xf32>
    %broadcast_in_dim3A_76 = vector.shape_cast %reduce_sum3A_75 : vector<50xf32> to vector<1x50xf32>
    %div3A_77 = arith.constant 5.000000e+01 : f32
    %div3A_78 = vector.broadcast %div3A_77 : f32 to vector<1x50xf32>
    %div3A_79 = arith.divf %broadcast_in_dim3A_76, %div3A_78 : vector<1x50xf32>
    %reduce_max3A_80 = vector.shape_cast %div3A_79 : vector<1x50xf32> to vector<1x1x50xf32>
    %reduce_max3A_81 = arith.constant dense<0xFF800000> : vector<1xf32>
    %reduce_max3A_82 = vector.multi_reduction <maximumf>, %reduce_max3A_80, %reduce_max3A_81 [1, 2] : vector<1x1x50xf32> to vector<1xf32>
    %reduce_max3A_83 = vector.shape_cast %reduce_max3A_82 : vector<1xf32> to vector<1x1x1xf32>
    %reduce_max3A_84 = vector.extract %reduce_max3A_83[0, 0, 0] : f32 from vector<1x1x1xf32>
    %sub3A_85 = vector.broadcast %reduce_max3A_84 : f32 to vector<1x50xf32>
    %sub3A_86 = arith.subf %div3A_79, %sub3A_85 : vector<1x50xf32>
    %exp3A_87 = math.exp %sub3A_86 : vector<1x50xf32>
    %reduce_sum3A_88 = vector.shape_cast %exp3A_87 : vector<1x50xf32> to vector<1x1x50xf32>
    %reduce_sum3A_89 = arith.constant dense<0.000000e+00> : vector<1xf32>
    %reduce_sum3A_90 = vector.multi_reduction <add>, %reduce_sum3A_88, %reduce_sum3A_89 [1, 2] : vector<1x1x50xf32> to vector<1xf32>
    %reduce_sum3A_91 = vector.shape_cast %reduce_sum3A_90 : vector<1xf32> to vector<1x1x1xf32>
    %reduce_sum3A_92 = vector.extract %reduce_sum3A_91[0, 0, 0] : f32 from vector<1x1x1xf32>
    %div3A_93 = vector.broadcast %reduce_sum3A_92 : f32 to vector<1x50xf32>
    %div3A_94 = arith.divf %exp3A_87, %div3A_93 : vector<1x50xf32>
    %mul3A_95 = vector.broadcast %div3A_73 : vector<50x1xf32> to vector<50x128xf32>
    %mul3A_96 = arith.mulf %mul3A_25, %mul3A_95 : vector<50x128xf32>
    %reduce_sum3A_97 = arith.constant dense<0.000000e+00> : vector<128xf32>
    %reduce_sum3A_98 = vector.multi_reduction <add>, %mul3A_96, %reduce_sum3A_97 [0] : vector<50x128xf32> to vector<128xf32>
    %broadcast_in_dim3A_99 = vector.shape_cast %reduce_sum3A_98 : vector<128xf32> to vector<1x128xf32>
    %dot_general3A_100 = arith.constant dense<0.000000e+00> : vector<1x128xf32>
    %dot_general3A_101 = tpu.matmul %div3A_94, %mul3A_49, %dot_general3A_100 {dimension_numbers = #tpu.dot_dimension_numbers<[1], [0], [0], [1], [0, 0, 1, 1], [], []>, transpose_lhs_hint = false} : vector<1x50xf32>, vector<50x128xf32>, vector<1x128xf32> -> vector<1x128xf32>
    %get3A_102 = arith.constant 0 : index
    %get3A_103 = arith.constant 0 : index
    %get3A_104 = vector.load %arg4[%get3A_102, %get3A_103] : memref<128x128xf32, #tpu.memory_space<vmem>>, vector<128x128xf32>
    %dot_general3A_105 = arith.constant dense<0.000000e+00> : vector<1x128xf32>
    %dot_general3A_106 = tpu.matmul %broadcast_in_dim3A_99, %get3A_104, %dot_general3A_105 {dimension_numbers = #tpu.dot_dimension_numbers<[1], [0], [0], [1], [0, 0, 1, 1], [], []>, transpose_lhs_hint = false} : vector<1x128xf32>, vector<128x128xf32>, vector<1x128xf32> -> vector<1x128xf32>
    %mul3A_107 = arith.mulf %dot_general3A_106, %dot_general3A_101 : vector<1x128xf32>
    %reduce_sum3A_108 = vector.shape_cast %mul3A_107 : vector<1x128xf32> to vector<1x1x128xf32>
    %reduce_sum3A_109 = arith.constant dense<0.000000e+00> : vector<1xf32>
    %reduce_sum3A_110 = vector.multi_reduction <add>, %reduce_sum3A_108, %reduce_sum3A_109 [1, 2] : vector<1x1x128xf32> to vector<1xf32>
    %reduce_sum3A_111 = vector.shape_cast %reduce_sum3A_110 : vector<1xf32> to vector<1x1x1xf32>
    %reduce_sum3A_112 = vector.extract %reduce_sum3A_111[0, 0, 0] : f32 from vector<1x1x1xf32>
    %get3A_113 = arith.constant 0 : index
    %get3A_114 = arith.constant 0 : index
    %get3A_115 = vector.load %arg5[%get3A_113, %get3A_114] : memref<1x1xf32, #tpu.memory_space<vmem>>, vector<1x1xf32>
    %get3A_116 = vector.extract %get3A_115[0, 0] : f32 from vector<1x1xf32>
    %add3A_117 = arith.addf %reduce_sum3A_112, %get3A_116 : f32
    %get3A_118 = arith.constant 0 : index
    %get3A_119 = arith.constant 0 : index
    %get3A_120 = vector.load %arg6[%get3A_118, %get3A_119] : memref<1x128xf32, #tpu.memory_space<vmem>>, vector<1x128xf32>
    %get3A_121 = arith.index_cast %arg0 : i32 to index
    %get3A_122 = arith.constant 0 : index
    %get3A_123 = vector.load %arg7[%get3A_121, %get3A_122] : memref<50x128xf32, #tpu.memory_space<vmem>>, vector<1x128xf32>
    %mul3A_124 = arith.mulf %get3A_120, %get3A_123 : vector<1x128xf32>
    %reduce_sum3A_125 = vector.shape_cast %mul3A_124 : vector<1x128xf32> to vector<1x1x128xf32>
    %reduce_sum3A_126 = arith.constant dense<0.000000e+00> : vector<1xf32>
    %reduce_sum3A_127 = vector.multi_reduction <add>, %reduce_sum3A_125, %reduce_sum3A_126 [1, 2] : vector<1x1x128xf32> to vector<1xf32>
    %reduce_sum3A_128 = vector.shape_cast %reduce_sum3A_127 : vector<1xf32> to vector<1x1x1xf32>
    %reduce_sum3A_129 = vector.extract %reduce_sum3A_128[0, 0, 0] : f32 from vector<1x1x1xf32>
    %mul3A_130 = arith.mulf %get3A_120, %get3A_120 : vector<1x128xf32>
    %reduce_sum3A_131 = vector.shape_cast %mul3A_130 : vector<1x128xf32> to vector<1x1x128xf32>
    %reduce_sum3A_132 = arith.constant dense<0.000000e+00> : vector<1xf32>
    %reduce_sum3A_133 = vector.multi_reduction <add>, %reduce_sum3A_131, %reduce_sum3A_132 [1, 2] : vector<1x1x128xf32> to vector<1xf32>
    %reduce_sum3A_134 = vector.shape_cast %reduce_sum3A_133 : vector<1xf32> to vector<1x1x1xf32>
    %reduce_sum3A_135 = vector.extract %reduce_sum3A_134[0, 0, 0] : f32 from vector<1x1x1xf32>
    %sqrt3A = math.sqrt %reduce_sum3A_135 : f32
    %mul3A_136 = arith.mulf %get3A_123, %get3A_123 : vector<1x128xf32>
    %reduce_sum3A_137 = vector.shape_cast %mul3A_136 : vector<1x128xf32> to vector<1x1x128xf32>
    %reduce_sum3A_138 = arith.constant dense<0.000000e+00> : vector<1xf32>
    %reduce_sum3A_139 = vector.multi_reduction <add>, %reduce_sum3A_137, %reduce_sum3A_138 [1, 2] : vector<1x1x128xf32> to vector<1xf32>
    %reduce_sum3A_140 = vector.shape_cast %reduce_sum3A_139 : vector<1xf32> to vector<1x1x1xf32>
    %reduce_sum3A_141 = vector.extract %reduce_sum3A_140[0, 0, 0] : f32 from vector<1x1x1xf32>
    %sqrt3A_142 = math.sqrt %reduce_sum3A_141 : f32
    %mul3A_143 = arith.mulf %sqrt3A, %sqrt3A_142 : f32
    %max3A = arith.constant 9.99999993E-9 : f32
    %max3A_144 = arith.maximumf %mul3A_143, %max3A : f32
    %div3A_145 = arith.divf %reduce_sum3A_129, %max3A_144 : f32
    %mul3A_146 = arith.constant 5.000000e-01 : f32
    %mul3A_147 = arith.mulf %mul3A_146, %div3A_145 : f32
    %mul3A_148 = arith.constant 5.000000e-01 : f32
    %mul3A_149 = arith.mulf %mul3A_148, %add3A_117 : f32
    %add3A_150 = arith.addf %mul3A_147, %mul3A_149 : f32
    %broadcast_in_dim3A_151 = arith.constant 0.000000e+00 : f32
    %broadcast_in_dim3A_152 = vector.broadcast %broadcast_in_dim3A_151 : f32 to vector<1x1xf32>
    %add3A_153 = vector.broadcast %add3A_150 : f32 to vector<1x1xf32>
    %add3A_154 = arith.addf %broadcast_in_dim3A_152, %add3A_153 : vector<1x1xf32>
    %swap3A = arith.index_cast %arg0 : i32 to index
    %swap3A_155 = arith.constant 0 : index
    %swap3A_156 = vector.load %arg8[%swap3A, %swap3A_155] : memref<50x1xf32, #tpu.memory_space<vmem>>, vector<1x1xf32>
    tpu.vector_store %arg8[%swap3A, %swap3A_155], %add3A_154 {strides = array<i32>} : memref<50x1xf32, #tpu.memory_space<vmem>>, vector<1x1xf32>,
    return
  }
  func.func @transform_0(%arg0: i32) -> (i32, i32) {
    %c0_i32 = arith.constant 0 : i32
    %c0_i32_0 = arith.constant 0 : i32
    %c0_i32_1 = arith.constant 0 : i32
    return %c0_i32, %c0_i32_0 : i32, i32
  }
  func.func @transform_1(%arg0: i32) -> (i32, i32) {
    %c0_i32 = arith.constant 0 : i32
    %c0_i32_0 = arith.constant 0 : i32
    %c0_i32_1 = arith.constant 0 : i32
    return %c0_i32, %c0_i32_0 : i32, i32
  }
  func.func @transform_2(%arg0: i32) -> (i32, i32) {
    %c0_i32 = arith.constant 0 : i32
    %c0_i32_0 = arith.constant 0 : i32
    %c0_i32_1 = arith.constant 0 : i32
    return %c0_i32, %c0_i32_0 : i32, i32
  }
  func.func @transform_3(%arg0: i32) -> (i32, i32) {
    %c0_i32 = arith.constant 0 : i32
    %c0_i32_0 = arith.constant 0 : i32
    %c0_i32_1 = arith.constant 0 : i32
    return %c0_i32, %c0_i32_0 : i32, i32
  }
  func.func @transform_4(%arg0: i32) -> (i32, i32) {
    %c0_i32 = arith.constant 0 : i32
    %c0_i32_0 = arith.constant 0 : i32
    %c0_i32_1 = arith.constant 0 : i32
    return %c0_i32, %c0_i32_0 : i32, i32
  }
  func.func @transform_5(%arg0: i32) -> (i32, i32) {
    %c0_i32 = arith.constant 0 : i32
    %c0_i32_0 = arith.constant 0 : i32
    %c0_i32_1 = arith.constant 0 : i32
    return %c0_i32, %c0_i32_0 : i32, i32
  }
  func.func @transform_6(%arg0: i32) -> (i32, i32) {
    %c0_i32 = arith.constant 0 : i32
    %c0_i32_0 = arith.constant 0 : i32
    %c0_i32_1 = arith.constant 0 : i32
    return %c0_i32, %c0_i32_0 : i32, i32
  }
  func.func @transform_7(%arg0: i32) -> (i32, i32) {
    %c0_i32 = arith.constant 0 : i32
    %c0_i32_0 = arith.constant 0 : i32
    %c0_i32_1 = arith.constant 0 : i32
    return %c0_i32, %c0_i32_0 : i32, i32
  }
}

</mosaic_0001>

<sc_bundles>
// kernel: kernel.6.cloned.1.call-start
scs
__scs_entry_jumppad:
0x0: {  	(pc) =	sbr.rel $0x88, $3  }
0x1: {  	(tag) =	ssettag $0x0;
	lr =	simm.s32 $0x1  }
0x2: {  	[smem:$0x3F99] =	sst lr;
	_ =	strace $0xD0000000  }
0x3: {  	_ = 	snop  }
0x4: {  	_ = 	snop  }
0x5: {  	_ = 	snop  }
0x6: {  	_ = 	snop  }
0x7: {  	_ = 	snop  }
__scs_overlays_trampoline_lowered:
0x8: {  	[smem:$0x3FA8] =	sst s0  }
0x9: {  	[smem:$0x3FA9] =	sst s1  }
0xa: {  	[smem:$0x3FAA] =	sst s2  }
0xb: {  	[smem:$0x3FAB] =	sst s3  }
0xc: {  	[smem:$0x3FAC] =	sst s4  }
0xd: {  	[smem:$0x3FAD] =	sst s5  }
0xe: {  	[smem:$0x3FAE] =	sst s6  }
0xf: {  	[smem:$0x3FAF] =	sst s7  }
0x10: {  	[smem:$0x3FB0] =	sst s8  }
0x11: {  	[smem:$0x3FB1] =	sst s9;
	s0 =	simm.s32 @!p0 $0x0  }
0x12: {  	s1 =	sld [smem:$0x3F97];
	s0 =	simm.s32 @p0 $0x1  }
0x13: {  	[smem:$0x3FB2] =	sst s0;
	s0 =	simm.s32 @!p1 $0x0  }
0x14: {  	s2 =	sld [smem:$0x3F96];
	s0 =	simm.s32 @p1 $0x1  }
0x15: {  	[smem:$0x3FB3] =	sst s0;
	s0 =	simm.s32 @!p2 $0x0  }
0x16: {  	s3 =	sld [smem:$0x3FDB];
	s0 =	simm.s32 @p2 $0x1  }
0x17: {  	s4 =	simm.s32 $0x1BF5;
	[smem:$0x3FB5] =	sst s0  }
0x18: {  	s0 =	sld [smem:$0x3F98];
	_ =	swait.ge [sflag:s4], $0x0  }
0x19: {  	s7 =	sld [smem:$0x3F99]  }
0x1a: {  	s8 =	sadd.s32 $0xFFFFE003, lr  }
0x1b: {  	s9 =	sadd.s32 $0xFFFFFEF7, lr;
	s5 =	simm.s32 $0xFFFFFFFF;
	p2 =	slt.u32 s8, $0xFFFFF086  }
0x1c: {  	p1 =	slt.u32 s9, $0xF7A;
	s5 =	simm.s32 @!p2 $0x0  }
0x1d: {  	s5 =	simm.s32 @p1 $0x1;
	p0 =	seq.s32 s7, s2  }
0x1e: {  	s7 =	smul.u32 @!p0 $0xF7A, s2;
	p2 =	seq.s32 @!p0 s5, $0x0  }
0x1f: {  	s9 =	smul.u32 $0xF7A, s1;
	s8 =	simm.s32 @!p0 $0x1BF5;
	p2 =	por !p2, p0  }
0x20: {  	[sflag:s8] =	ssyncset.s32 @!p0 $0xFFFFF086;
	s6 =	sadd.s32 @!p0 s3, s7;
	s7 =	simm.s32 @!p0 $0x108  }
0x21: {  	s3 =	sadd.s32 s3, s9;
	s6 =	sadd.s32 @!p0 $0x88, s6;
	s7 =	simm.s32 @p2 $0x1082  }
0x22: {  	[simem:s7], [sflag:s8] =	dma.local @!p0 [hbm:s6], $0xF7A  }
0x23: {  	s9 =	sor.u32 $0xD0000000, s2;
	s6 =	simm.s32 $0x108;
	_ =	swait.ge @!p0 [sflag:s8], $0x0  }
0x24: {  	s3 =	sadd.s32 $0x88, s3;
	s6 =	simm.s32 @!p1 $0x1082;
	[sflag:s4] =	ssyncset.s32 $0xFFFFF086  }
0x25: {  	[simem:s6], [sflag:s4] =	dma.local [hbm:s3], $0xF7A  }
0x26: {  	[smem:$0x3F99] =	sst s1;
	(tag) =	ssettag s2;
	_ =	strace s9  }
0x27: {  	s1 =	sld [smem:$0x3FA9]  }
0x28: {  	s2 =	sld [smem:$0x3FAA]  }
0x29: {  	s4 =	sld [smem:$0x3FAC]  }
0x2a: {  	p0 =	seq.s32 s5, $0x0;
	s5 =	sld [smem:$0x3FAD]  }
0x2b: {  	s6 =	sld [smem:$0x3FAE]  }
0x2c: {  	s7 =	sld [smem:$0x3FAF]  }
0x2d: {  	s3 =	simm.s32 $0x108;
	s8 =	sld [smem:$0x3FB0]  }
0x2e: {  	s3 =	simm.s32 @!p0 $0x1082;
	s9 =	sld [smem:$0x3FB1]  }
0x2f: {  	lr =	sadd.s32 s0, s3;
	s0 =	sld [smem:$0x3FA8]  }
0x30: {  	s3 =	sld [smem:$0x3FAB]  }
0x31: {  	[smem:$0x3FB4] =	sst s10  }
0x32: {  	s10 =	sld [smem:$0x3FB2];
	_ =	sdelay $0x3  }
0x33: {  	p0 =	seq.s32 s10, $0x1;
	s10 =	sld [smem:$0x3FB4];
	_ =	sdelay $0x3  }
0x34: {  	[smem:$0x3FB4] =	sst s10  }
0x35: {  	s10 =	sld [smem:$0x3FB3];
	_ =	sdelay $0x3  }
0x36: {  	p1 =	seq.s32 s10, $0x1;
	s10 =	sld [smem:$0x3FB4];
	_ =	sdelay $0x3  }
0x37: {  	[smem:$0x3FB4] =	sst s10  }
0x38: {  	s10 =	sld [smem:$0x3FB5]  }
0x39: {  	_ = 	snop;
	(pc) =	sbr.ind lr, $3  }
0x3a: {  	_ = 	snop  }
0x3b: {  	_ = 	snop  }
0x3c: {  	p2 =	seq.s32 s10, $0x1;
	s10 =	sld [smem:$0x3FB4]  }
0x3d: {  	_ =	shalt  }
0x3e: {  	_ =	shalt  }
0x3f: {  	_ =	shalt  }
0x40: {  	_ =	shalt  }
0x41: {  	_ =	shalt  }
0x42: {  	_ =	shalt  }
0x43: {  	_ =	shalt  }
0x44: {  	_ =	shalt  }
0x45: {  	_ =	shalt  }
0x46: {  	_ =	shalt  }
0x47: {  	_ =	shalt  }
0x48: {  	_ =	shalt  }
0x49: {  	_ =	shalt  }
0x4a: {  	_ =	shalt  }
0x4b: {  	_ =	shalt  }
0x4c: {  	_ =	shalt  }
0x4d: {  	_ =	shalt  }
0x4e: {  	_ =	shalt  }
0x4f: {  	_ =	shalt  }
0x50: {  	_ =	shalt  }
0x51: {  	_ =	shalt  }
0x52: {  	_ =	shalt  }
0x53: {  	_ =	shalt  }
0x54: {  	_ =	shalt  }
0x55: {  	_ =	shalt  }
0x56: {  	_ =	shalt  }
0x57: {  	_ =	shalt  }
0x58: {  	_ =	shalt  }
0x59: {  	_ =	shalt  }
0x5a: {  	_ =	shalt  }
0x5b: {  	_ =	shalt  }
0x5c: {  	_ =	shalt  }
0x5d: {  	_ =	shalt  }
0x5e: {  	_ =	shalt  }
0x5f: {  	_ =	shalt  }
0x60: {  	_ =	shalt  }
0x61: {  	_ =	shalt  }
0x62: {  	_ =	shalt  }
0x63: {  	_ =	shalt  }
0x64: {  	_ =	shalt  }
0x65: {  	_ =	shalt  }
0x66: {  	_ =	shalt  }
0x67: {  	_ =	shalt  }
0x68: {  	_ =	shalt  }
0x69: {  	_ =	shalt  }
0x6a: {  	_ =	shalt  }
0x6b: {  	_ =	shalt  }
0x6c: {  	_ =	shalt  }
0x6d: {  	_ =	shalt  }
0x6e: {  	_ =	shalt  }
0x6f: {  	_ =	shalt  }
0x70: {  	_ =	shalt  }
0x71: {  	_ =	shalt  }
0x72: {  	_ =	shalt  }
0x73: {  	_ =	shalt  }
0x74: {  	_ =	shalt  }
0x75: {  	_ =	shalt  }
0x76: {  	_ =	shalt  }
0x77: {  	_ =	shalt  }
0x78: {  	_ =	shalt  }
0x79: {  	_ =	shalt  }
0x7a: {  	_ =	shalt  }
0x7b: {  	_ =	shalt  }
0x7c: {  	_ =	shalt  }
0x7d: {  	_ =	shalt  }
0x7e: {  	_ =	shalt  }
0x7f: {  	_ =	shalt  }
0x80: {  	_ =	shalt  }
0x81: {  	_ =	shalt  }
0x82: {  	_ =	shalt  }
0x83: {  	_ =	shalt  }
0x84: {  	_ =	shalt  }
0x85: {  	_ =	shalt  }
0x86: {  	_ =	shalt  }
0x87: {  	_ =	shalt  }
.Lfunc_end0:
.L_simem_size_0:
called_computation.1_lowered:
.L_overlay_start_0:
0x88: {  	s2 =	sld [smem:$0x3FD9]  }
0x89: {  	s3 =	sld [smem:$0x3FFE];
	_ =	sdelay $0x1  }
0x8a: {  	s1 =	srdreg.scid  }
0x8b: {  	s0 =	sand.u32 $0x1, s1  }
0x8c: {  	s16 =	sshll.u32 s0, $0xA;
	s2 =	sadd.s32 s3, s2  }
0x8d: {  	s2 =	sadd.s32 s2, s16  }
0x8e: {  	[smem:$0x3FC0] =	sst s2  }
0x8f: {  	_ = 	snop  }
0x90: {  	(tm) =	ssettm $0x1  }
0x91: {  	s17 =	sld [smem:$0x3FFB];
	_ =	sdelay $0x3  }
0x92: {  	_ =	strace s17  }
0x93: {  	s2 =	sld [smem:$0x3FFC];
	_ =	sdelay $0x3  }
0x94: {  	_ =	strace s2  }
0x95: {  	s2 =	sld [smem:$0x3FFD];
	_ =	sdelay $0x3  }
0x96: {  	_ =	strace s2  }
0x97: {  	_ =	strace $0x8FFFFFFF  }
0x98: {  	s18 =	sld [smem:$0x3FDB];
	_ =	sdelay $0x1  }
0x99: {  	s19 =	simm.s32 $_scs_section_size  }
0x9a: {  	s4 =	simm.s32 $_size__tile_overlayer_lowered;
	s5 =	simm.s32 $_tile_overlayer_lowered  }
0x9b: {  	s22 =	simm.s32 $0x1BFF;
	s21 =	sshll.u32 s5, $0x1;
	s2 =	sadd.s32 s19, s18  }
0x9c: {  	s6 =	simm.s32 $0x0;
	s20 =	sshll.u32 s4, $0x1;
	s4 =	sadd.s32 s21, s2  }
0x9d: {  	[timem:s6], [sflag:s22] =	dma.local [hbm:s4], s20  }
0x9e: {  	_ =	swait.ge [sflag:s22], s20  }
0x9f: {  	s3 =	ssub.s32 $0x0, s20;
	[sflag:s22] =	ssyncset.done $0x0  }
0xa0: {  	[sflag:s22] =	ssyncadd.s32 s3;
	_ =	sdelay $0x1  }
0xa1: {  	s23 =	simm.s32 $0x1B8B  }
0xa2: {  	_ =	swait.ge [sflag:s23], $0x1  }
0xa3: {  	[sflag:s23] =	ssyncset.done $0x0  }
0xa4: {  	s25 =	simm.s32 $0x1B8E;
	s24 =	sld [smem:$0x3FFE];
	[sflag:s23] =	ssyncadd.s32 $0xFFFFFFFF  }
0xa5: {  	s26 =	simm.s32 $execute0_lowered;
	[smem:$0x3FD2] =	sst s25  }
0xa6: {  	s4 =	sshll.u32 s26, $0x1;
	_ =	strace $0x80000049;
	[dreg:$0x1] =	wrdreg $0xFFFFFFFF  }
0xa7: {  	s28 =	simm.s32 $_size_execute0_lowered;
	s2 =	sadd.s32 s2, s4;
	[dreg:$0x0] =	wrdreg $0x0  }
0xa8: {  	s4 =	sshll.u32 s28, $0x1;
	[dreg:$0x2] =	wrdreg s2  }
0xa9: {  	[dreg:$0x3] =	wrdreg s4  }
0xaa: {  	[dreg:$0x4] =	wrdreg $0xC0  }
0xab: {  	_ =	task [dreg:s6], $0x5FFFF  }
0xac: {  	[dreg:$0x1] =	wrdreg $0xFFFFFFFF  }
0xad: {  	[dreg:$0x0] =	wrdreg $0x60  }
0xae: {  	[dreg:$0x2] =	wrdreg s24  }
0xaf: {  	[dreg:$0x3] =	wrdreg $0x9  }
0xb0: {  	_ =	task.clear_ibuf [dreg:s6], $0x4FFFF;
	_ =	strace $0x90000049  }
0xb1: {  	s29 =	simm.s32 $0x9;
	_ =	strace $0x8000004B  }
0xb2: {  	_ =	swait.ge [sflag:s29], $0x1  }
0xb3: {  	[sflag:s29] =	ssyncadd.s32 $0xFFFFFFFF  }
0xb4: {  	_ =	strace $0x9000004B  }
0xb5: {  	_ =	sfence  }
0xb6: {  	s30 =	sld [smem:$0x0];
	_ =	sdelay $0x2  }
0xb7: {  	s31 =	sshll.u32 s1, $0xD;
	s1 =	sshrl.u32 s1, $0x2  }
0xb8: {  	s3 =	sand.u32 $0x4000, s31;
	s1 =	sadd.s32 s1, s30  }
0xb9: {  	s0 =	sor.u32 s3, s0;
	s1 =	sshll.u32 s1, $0x11  }
0xba: {  	s0 =	sor.u32 s1, s0  }
0xbb: {  	s0 =	sadd.s32 $0x8F2B, s0  }
0xbc: {  	[sflag:s0] =	ssyncadd.remote.s32 $0x1  }
0xbd: {  	_ =	sfence.sel $0xFFFF  }
0xbe: {  	[dreg:$0x0] =	wrdreg $0xFFFFFFFF;
	(pc) =	sbr.abs _section_cstart, $3  }
0xbf: {  	[dreg:$0x1] =	wrdreg $0xFFFFFFFF  }
0xc0: {  	_ =	task.clear_ibuf [dreg:s6], $0x2FFFF;
	_ =	strace $0x9FFFFFFF  }
0xc1: {  	(tm) =	ssettm $0x7FFFFFFF  }
tec
execute0_lowered:
.L_overlay_start_1:
0x0: {  	(tag) =	ssettag $0x1  }
0x1: {  	s1 =	srdreg.scid;
	s0 =	stileid.u32  }
0x2: {  	s6 =	sand.u32 $0x1, s1;
	s30 =	sshll.u32 s0, $0x1  }
0x3: {  	s9 =	rddreg [dreg:$0x0];
	s7 =	sor.u32 s6, s30  }
0x4: {  	s2 =	simm.s32 $0x0;
	s1 =	rddreg [dreg:$0x1];
	s3 =	smul.u32 $0xA, s7  }
0x5: {  	s8 =	simm.s32 $0x1;
	[smem:$0x7FF] =	sst s2;
	s5 =	sadd.s32 $0x1C9F200, s9  }
0x6: {  	_ =	strace $0x8000004A;
	s11 =	ssub.s32 $0x2, s6;
	s3 =	sadd.s32 s3, s9  }
0x7: {  	s6 =	simm.s32 $0x50;
	s4 =	sadd.s32 $0x1A00, s3;
	s3 =	simm.s32 $0x2  }
0x8: {  	[tilespmem:s2], [sflag:$0x2] =	stream.linear.gather [hbm4b:s4+s2], $0x50, $0x38;
	[tilespmem:$0x2880] =	vst v63  }
0x9: {  	s10 =	smul.u32 $0x500, s7;
	s12 =	sshrl.u32 s11, $0x1;
	_ =	swait.ge [sflag:s3], $0x50  }
0xa: {  	s7 =	simm.s32 $0x80;
	s31 =	ssub.s32 s11, s12;
	[sflag:s3] =	ssyncset.done $0x0  }
0xb: {  	s9 =	sadd.s32 s10, s9;
	s10 =	smax.u32 s31, $0x1;
	[sflag:s3] =	ssyncadd.s32 $0xFFFFFFB0  }
0xc: {  	[tilespmem:s7], [sflag:$0x1] =	stream.indirect.gather [hbm4b:s5+s6], $0x80, s2, s6, $0xb8;
	[tilespmem:$0x2880] =	vst v63  }
0xd: {  	p0 =	sne.s32 s10, $0x1;
	_ =	swait.ge [sflag:s8], $0x2800  }
.Ltmp0:
0xe: {  	[sflag:s8] =	ssyncset.done $0x0;
	(pc) =	sbr.rel @!p0 .LBB2_2-.Ltmp0, $4  }
0xf: {  	s9 =	sadd.s32 $0x1C00, s9;
	[sflag:s8] =	ssyncadd.s32 $0xFFFFD800  }
0x10: {  	[hbm4b:s9+s2] =	stream.linear.scatter [tilespmem:s7], [sflag:$0x2], $0x2800, $0x38;
	[tilespmem:$0x2880] =	vst v63  }
0x11: {  	_ =	swait.ge [sflag:s3], $0x2800  }
0x12: {  	s10 =	sadd.s32 $0xFFFFFFFF, s10;
	[sflag:s3] =	ssyncset.done $0x0  }
.LBB2_1:
0x13: {  	p0 =	sne.s32 s10, $0x1;
	s10 =	sadd.s32 $0xFFFFFFFF, s10;
	[sflag:s3] =	ssyncadd.s32 $0xFFFFD800  }
0x14: {  	[tilespmem:s2], [sflag:$0x2] =	stream.linear.gather [hbm4b:s4+s2], $0x50, $0x38;
	[tilespmem:$0x2880] =	vst v63  }
0x15: {  	_ =	swait.ge [sflag:s3], $0x50  }
0x16: {  	[sflag:s3] =	ssyncset.done $0x0  }
0x17: {  	[sflag:s3] =	ssyncadd.s32 $0xFFFFFFB0  }
0x18: {  	[tilespmem:s7], [sflag:$0x1] =	stream.indirect.gather [hbm4b:s5+s6], $0x80, s2, s6, $0xb8;
	[tilespmem:$0x2880] =	vst v63  }
0x19: {  	_ =	swait.ge [sflag:s8], $0x2800  }
.Ltmp1:
0x1a: {  	[sflag:s8] =	ssyncset.done $0x0;
	(pc) =	sbr.rel @p0 .LBB2_1-.Ltmp1, $4  }
0x1b: {  	[sflag:s8] =	ssyncadd.s32 $0xFFFFD800  }
0x1c: {  	[hbm4b:s9+s2] =	stream.linear.scatter [tilespmem:s7], [sflag:$0x2], $0x2800, $0x38;
	[tilespmem:$0x2880] =	vst v63  }
0x1d: {  	_ =	swait.ge [sflag:s3], $0x2800  }
0x1e: {  	[sflag:s3] =	ssyncset.done $0x0  }
.LBB2_2:
0x1f: {  	[sflag:s3] =	ssyncadd.s32 $0xFFFFD800  }
0x20: {  	_ =	sfence.sel $0x180000  }
0x21: {  	[bflag:$0x0] =	sbarrier.arrive $0xFFFF  }
0x22: {  	p0 =	sne.s32 s0, $0x0;
	_ =	strace $0x9000004A  }
0x23: {  	s0 =	sadd.s32 @!p0 $0x100000, s1;
	[bflag:$0x2] =	sbarrier.arrive $0xFFFF  }
0x24: {  	[sflag:s0] =	ssyncadd.tile.s32 @!p0 $0x1;
	_ =	shalt  }
.Lfunc_end2:
_tile_overlayer_lowered:
.L_overlay_start_2:
0x25: {  	(tag) =	ssettag $0x2  }
0x26: {  	s0 =	rddreg [dreg:$0x0];
	s2 =	stileid.u32  }
0x27: {  	s1 =	rddreg [dreg:$0x1];
	p0 =	sne.s32 s2, $0x0  }
0x28: {  	s3 =	rddreg [dreg:$0x2];
	[bflag:$0x3] =	sbarrier.arrive $0xFFFF;
	s2 =	simm.s32 @!p0 $0x1C02  }
0x29: {  	[timem:s3], [sflag:s2] =	dma.local @!p0 [hbm:s0], s1  }
0x2a: {  	s0 =	simm.s32 @!p0 $0x2  }
0x2b: {  	_ =	swait.ge @!p0 [sflag:s0], s1  }
0x2c: {  	s1 =	ssub.s32 @!p0 $0x0, s1;
	[sflag:s0] =	ssyncset.done @!p0 $0x0  }
0x2d: {  	[sflag:s0] =	ssyncadd.s32 @!p0 s1  }
0x2e: {  	[bflag:$0x3] =	sbarrier.arrive $0xFFFF  }
0x2f: {  	_ =	shalt  }

// kernel: sparse-core-data-format-call.cloned.1.call-start
scs
called_computation_lowered:
.L_overlay_start_0:
0x0: {  	s1 =	sld [smem:$0x3FD9]  }
0x1: {  	s2 =	sld [smem:$0x3FFE];
	_ =	sdelay $0x1  }
0x2: {  	s3 =	srdreg.scid  }
0x3: {  	s0 =	sand.u32 $0x1, s3  }
0x4: {  	s17 =	sshll.u32 s0, $0xA;
	s1 =	sadd.s32 s2, s1  }
0x5: {  	s1 =	sadd.s32 s1, s17  }
0x6: {  	[smem:$0x3FC0] =	sst s1  }
0x7: {  	_ = 	snop  }
0x8: {  	(tm) =	ssettm $0x1  }
0x9: {  	s18 =	sld [smem:$0x3FFB];
	_ =	sdelay $0x3  }
0xa: {  	_ =	strace s18  }
0xb: {  	s1 =	sld [smem:$0x3FFC];
	_ =	sdelay $0x3  }
0xc: {  	_ =	strace s1  }
0xd: {  	s1 =	sld [smem:$0x3FFD];
	_ =	sdelay $0x3  }
0xe: {  	_ =	strace s1  }
0xf: {  	_ =	strace $0x8FFFFFFF  }
0x10: {  	s19 =	sld [smem:$0x3FDB];
	_ =	sdelay $0x1  }
0x11: {  	s20 =	simm.s32 $_scs_section_size  }
0x12: {  	s4 =	simm.s32 $_size__tile_overlayer_lowered;
	s5 =	simm.s32 $_tile_overlayer_lowered  }
0x13: {  	s23 =	simm.s32 $0x1BFF;
	s22 =	sshll.u32 s5, $0x1;
	s1 =	sadd.s32 s20, s19  }
0x14: {  	s6 =	simm.s32 $0x0;
	s21 =	sshll.u32 s4, $0x1;
	s4 =	sadd.s32 s22, s1  }
0x15: {  	[timem:s6], [sflag:s23] =	dma.local [hbm:s4], s21  }
0x16: {  	_ =	swait.ge [sflag:s23], s21  }
0x17: {  	s2 =	ssub.s32 $0x0, s21;
	[sflag:s23] =	ssyncset.done $0x0  }
0x18: {  	[sflag:s23] =	ssyncadd.s32 s2;
	_ =	sdelay $0x1  }
0x19: {  	s24 =	simm.s32 $0x1B8B  }
0x1a: {  	_ =	swait.ge [sflag:s24], $0x1  }
0x1b: {  	[sflag:s24] =	ssyncset.done $0x0  }
0x1c: {  	s26 =	simm.s32 $0x1B8E;
	s25 =	sld [smem:$0x3FFE];
	[sflag:s24] =	ssyncadd.s32 $0xFFFFFFFF  }
0x1d: {  	s27 =	simm.s32 $execute0_lowered;
	[smem:$0x3FD2] =	sst s26  }
0x1e: {  	s4 =	sshll.u32 s27, $0x1;
	_ =	strace $0x80000046;
	[dreg:$0x1] =	wrdreg $0xFFFFFFFF  }
0x1f: {  	s28 =	simm.s32 $_size_execute0_lowered;
	s1 =	sadd.s32 s1, s4;
	[dreg:$0x0] =	wrdreg $0x0  }
0x20: {  	s4 =	sshll.u32 s28, $0x1;
	[dreg:$0x2] =	wrdreg s1  }
0x21: {  	[dreg:$0x3] =	wrdreg s4  }
0x22: {  	[dreg:$0x4] =	wrdreg $0xC0  }
0x23: {  	_ =	task [dreg:s6], $0x5FFFF  }
0x24: {  	[dreg:$0x1] =	wrdreg $0xFFFFFFFF  }
0x25: {  	[dreg:$0x0] =	wrdreg $0x60  }
0x26: {  	[dreg:$0x2] =	wrdreg s25  }
0x27: {  	[dreg:$0x3] =	wrdreg $0x9  }
0x28: {  	_ =	task.clear_ibuf [dreg:s6], $0x4FFFF;
	_ =	strace $0x90000046  }
0x29: {  	s29 =	simm.s32 $0x9;
	_ =	strace $0x80000048  }
0x2a: {  	_ =	swait.ge [sflag:s29], $0x1  }
0x2b: {  	[sflag:s29] =	ssyncadd.s32 $0xFFFFFFFF  }
0x2c: {  	_ =	strace $0x90000048  }
0x2d: {  	_ =	sfence  }
0x2e: {  	s30 =	sld [smem:$0x0];
	_ =	sdelay $0x2  }
0x2f: {  	s31 =	sshll.u32 s3, $0xD;
	s3 =	sshrl.u32 s3, $0x2  }
0x30: {  	s2 =	sand.u32 $0x4000, s31;
	s1 =	sadd.s32 s3, s30  }
0x31: {  	s0 =	sor.u32 s2, s0;
	s1 =	sshll.u32 s1, $0x11  }
0x32: {  	s0 =	sor.u32 s1, s0  }
0x33: {  	s0 =	sadd.s32 $0x8F2B, s0  }
0x34: {  	[sflag:s0] =	ssyncadd.remote.s32 $0x1  }
0x35: {  	_ =	sfence.sel $0xFFFF  }
0x36: {  	[dreg:$0x0] =	wrdreg $0xFFFFFFFF;
	(pc) =	sbr.abs _section_cstart, $3  }
0x37: {  	[dreg:$0x1] =	wrdreg $0xFFFFFFFF  }
0x38: {  	_ =	task.clear_ibuf [dreg:s6], $0x2FFFF;
	_ =	strace $0x9FFFFFFF  }
0x39: {  	(tm) =	ssettm $0x7FFFFFFF  }
tec
execute0_lowered:
.L_overlay_start_1:
0x0: {  	(tag) =	ssettag $0x1  }
0x1: {  	s1 =	srdreg.scid  }
0x2: {  	s0 =	stileid.u32;
	s5 =	rddreg [dreg:$0x0]  }
0x3: {  	s8 =	simm.s32 $0x2;
	s10 =	simm.s32 $0x0;
	s16 =	simm.s32 $0x0  }
0x4: {  	s17 =	simm.s32 $0x0;
	s18 =	simm.s32 $0x0;
	s11 =	simm.s32 $0x0  }
0x5: {  	s12 =	simm.s32 $0x0;
	s14 =	simm.s32 $0x0;
	s1 =	sshll.u32 s1, $0x4  }
0x6: {  	s15 =	simm.s32 $0x0;
	s25 =	simm.s32 $0x0;
	s2 =	sand.u32 $0x10, s1  }
0x7: {  	s3 =	sshll.u32 s0, $0x7;
	s1 =	rddreg [dreg:$0x1];
	s4 =	sor.u32 s0, s2  }
0x8: {  	_ =	strace $0x80000047;
	s2 =	sand.u32 $0x180, s3;
	s3 =	sshrl.u32 s4, $0x2  }
.Ltmp0:
0x9: {  	s6 =	ssub.s32 $0x1E80, s2;
	s4 =	simm.s32 $0x1;
	(pc) =	sbr.rel .LBB1_1-.Ltmp0, $4  }
0xa: {  	s13 =	smov.u32 s2;
	s7 =	sshll.u32 s3, $0x4;
	s6 =	sshrl.u32 s6, $0x9  }
0xb: {  	[sflag:s4] =	ssyncpa.u1 $0x0;
	s9 =	smul.u32 $0x7, s6;
	s7 =	sadd.s32 s7, s5  }
0xc: {  	s5 =	sadd.s32 $0x6AF200, s5;
	[sflag:s8] =	ssyncpa.u1 $0x0;
	s7 =	sadd.s32 $0x1600, s7  }
0xd: {  	s6 =	sadd.s32 $0x7, s9;
	s8 =	sadd.s32 $0x8, s9;
	s9 =	simm.s32 $0x0  }
.LBB1_10:
0xe: {  	s20 =	sand.u32 $0x1FFFFFF, s11  }
0xf: {  	s22 =	smulhi.u32 $0x218A169, s20;
	_ =	sdelay $0x1  }
0x10: {  	s23 =	smul.u32 $0xF4400, s12;
	s22 =	sshrl.u32 s22, $0x6  }
0x11: {  	s22 =	smul.u32 $0x1E88, s22  }
0x12: {  	s18 =	smul.u32 $0x1E880, s18  }
0x13: {  	s31 =	sadd.s32 s5, s23;
	s20 =	ssub.s32 s20, s22  }
0x14: {  	s18 =	sadd.s32 s18, s31;
	s20 =	sshll.u32 s20, $0x4  }
0x15: {  	s21 =	sor.u32 $0x8000, s21;
	s18 =	sadd.s32 s20, s18  }
0x16: {  	[hbm4b:s18+s9] =	stream.linear.scatter [tilespmem:s21], [sflag:$0x2], s19, $0x38;
	[tilespmem:$0x10000] =	vst v63  }
.LBB1_11:
0x17: {  	p0 =	slt.u32 s15, $0x2  }
0x18: {  	p1 =	sgt.s32 @!p0 s17, $0x6  }
0x19: {  	s18 =	smov.u32 s17;
	s19 =	sshra.s32 @!p0 s17, $0x1F;
	p1 =	por !p1, p0  }
0x1a: {  	s20 =	sshra.s32 @!p0 s16, $0x1F;
	s18 =	simm.s32 @p1 $0x6;
	p1 =	sgt.s32 @!p0 s16, $0x1E08  }
0x1b: {  	s17 =	sand.u32 @!p0 s19, s17;
	s19 =	smov.u32 s16;
	p1 =	por !p1, p0  }
0x1c: {  	s16 =	sand.u32 @!p0 s20, s16;
	s17 =	ssub.s32 @!p0 s18, s17;
	s19 =	simm.s32 @p1 $0x1E08  }
0x1d: {  	s17 =	sadd.s32 @!p0 $0xFFFFFFFA, s17;
	s16 =	ssub.s32 @!p0 s19, s16  }
0x1e: {  	p1 =	sgt.s32 @!p0 s17, $0x0;
	s18 =	sadd.s32 @!p0 $0xFFFFE1F8, s16  }
0x1f: {  	s17 =	sshll.u32 @!p0 s17, $0x7;
	s16 =	ssub.s32 @!p0 $0x1E88, s16;
	p2 =	sgt.s32 @!p0 s18, $0x7F  }
0x20: {  	s17 =	ssub.s32 @!p0 $0x80, s17;
	p1 =	por !p1, p0;
	p2 =	por !p2, p0  }
0x21: {  	s19 =	sadd.s32 $0x200, s13;
	s17 =	simm.s32 @!p1 $0x0;
	s16 =	simm.s32 @!p2 $0x0  }
0x22: {  	p1 =	sgt.s32 s19, $0x1E87;
	s16 =	smul.u32 @!p0 s16, s17;
	s17 =	simm.s32 $0x1  }
0x23: {  	s17 =	simm.s32 @!p1 $0x0  }
0x24: {  	s21 =	sadd.s32 s17, s14  }
0x25: {  	s19 =	smov.u32 @p1 s2;
	p1 =	sgt.s32 s21, $0x6  }
0x26: {  	s10 =	sadd.s32 $0x4000, s10;
	s21 =	simm.s32 @p1 $0x0;
	p1 =	sne.s32 s15, s8  }
.Ltmp1:
0x27: {  	s18 =	simm.s32 @!p0 $0x2;
	s16 =	sand.u32 @!p0 $0x3FFFFF80, s16;
	(pc) =	sbr.rel @!p1 .LBB1_12-.Ltmp1, $4  }
0x28: {  	s17 =	smov.u32 s12;
	s12 =	smov.u32 s14;
	_ =	swait.ge @!p0 [sflag:s18], s16  }
0x29: {  	s20 =	ssub.s32 @!p0 $0x0, s16;
	s16 =	smov.u32 s11;
	s11 =	smov.u32 s13  }
0x2a: {  	s13 =	smov.u32 s19;
	[sflag:s18] =	ssyncset.done @!p0 $0x0;
	s15 =	sadd.s32 $0x1, s15  }
0x2b: {  	[sflag:s18] =	ssyncadd.s32 @!p0 s20;
	s18 =	smov.u32 s3;
	s14 =	smov.u32 s21  }
.LBB1_1:
0x2c: {  	p0 =	sge.u32 s15, s6  }
0x2d: {  	p1 =	sgt.s32 @!p0 s14, $0x6  }
0x2e: {  	s19 =	smov.u32 s14;
	s21 =	smov.u32 s13;
	p1 =	por !p1, p0  }
0x2f: {  	s20 =	sshra.s32 @!p0 s14, $0x1F;
	s19 =	simm.s32 @p1 $0x6;
	p1 =	sgt.s32 @!p0 s13, $0x1E08  }
0x30: {  	s22 =	sshra.s32 @!p0 s13, $0x1F;
	s20 =	sand.u32 @!p0 s20, s14;
	p1 =	por !p1, p0  }
0x31: {  	s19 =	ssub.s32 @!p0 s19, s20;
	s20 =	sand.u32 @!p0 s22, s13;
	s21 =	simm.s32 @p1 $0x1E08  }
0x32: {  	s19 =	sadd.s32 @!p0 $0xFFFFFFFA, s19;
	s20 =	ssub.s32 @!p0 s21, s20  }
0x33: {  	p1 =	sgt.s32 @!p0 s19, $0x0;
	s21 =	sadd.s32 @!p0 $0xFFFFE1F8, s20  }
0x34: {  	s19 =	sshll.u32 @!p0 s19, $0x7;
	s20 =	ssub.s32 @!p0 $0x1E88, s20;
	p2 =	sgt.s32 @!p0 s21, $0x7F  }
0x35: {  	s19 =	ssub.s32 @!p0 $0x80, s19;
	p1 =	por !p1, p0;
	p2 =	por !p2, p0  }
0x36: {  	s19 =	simm.s32 @!p1 $0x0;
	s20 =	simm.s32 @!p2 $0x0  }
0x37: {  	s21 =	sxor.u32 @!p0 $0xFFFFFFFF, s15;
	s19 =	smul.u32 @!p0 s20, s19  }
0x38: {  	s20 =	sshll.u32 @!p0 s21, $0xE;
	s21 =	smul.u32 @!p0 $0xF4400, s14  }
0x39: {  	s23 =	simm.s32 @!p0 $0x400  }
0x3a: {  	s22 =	sshll.u32 @!p0 s13, $0x7;
	s20 =	sand.u32 @!p0 $0x4000, s20;
	s21 =	sadd.s32 @!p0 s21, s7  }
0x3b: {  	s19 =	sand.u32 @!p0 $0x3FFFFF80, s19;
	s21 =	sadd.s32 @!p0 s22, s21;
	s22 =	simm.s32 @!p0 $0x80  }
0x3c: {  	[tilespmem:s20], [sflag:$0x1] =	stream.strided.gather @!p0 [hbm4b:s21+s22], s19, s23, s22, $0x38;
	[tilespmem:$0x10000] =	vst v63  }
0x3d: {  	p0 =	seq.s32 s15, $0x0  }
0x3e: {  	p1 =	sge.u32 @!p0 s15, s8  }
0x3f: {  	p0 =	por p0, p1  }
.Ltmp2:
0x40: {  	_ = 	snop;
	(pc) =	sbr.rel @p0 .LBB1_11-.Ltmp2, $1  }
0x41: {  	_ =	sdelay $0x3  }
0x42: {  	p0 =	sgt.s32 s12, $0x6;
	s19 =	smov.u32 s12  }
0x43: {  	s20 =	sshra.s32 s12, $0x1F;
	s21 =	smov.u32 s11;
	s22 =	sshra.s32 s11, $0x1F  }
0x44: {  	s19 =	simm.s32 @!p0 $0x6;
	s20 =	sand.u32 s20, s12;
	p0 =	sgt.s32 s11, $0x1E08  }
0x45: {  	s30 =	sand.u32 s22, s11;
	s19 =	ssub.s32 s19, s20;
	s21 =	simm.s32 @!p0 $0x1E08  }
0x46: {  	s22 =	sadd.s32 $0x80, s11;
	s19 =	sadd.s32 $0xFFFFFFFA, s19;
	s20 =	ssub.s32 s21, s30  }
0x47: {  	p0 =	sgt.s32 s19, $0x0;
	s21 =	sadd.s32 $0xFFFFE1F8, s20;
	s19 =	sshll.u32 s19, $0x7  }
0x48: {  	p1 =	sgt.s32 s21, $0x7F;
	s19 =	ssub.s32 $0x80, s19;
	s21 =	sadd.s32 $0x1, s12  }
0x49: {  	s20 =	ssub.s32 $0x1E88, s20;
	s19 =	simm.s32 @p0 $0x0;
	p0 =	slt.s32 s21, $0x7  }
0x4a: {  	s20 =	simm.s32 @p1 $0x0;
	s21 =	simm.s32 @!p0 $0x7;
	p0 =	slt.s32 s22, $0x1E88  }
0x4b: {  	s19 =	smul.u32 s20, s19;
	s20 =	ssub.s32 s21, s12;
	s22 =	simm.s32 @!p0 $0x1E88  }
0x4c: {  	s22 =	ssub.s32 s22, s11;
	p0 =	slt.s32 s20, $0x1  }
0x4d: {  	p1 =	slt.s32 @!p0 s22, $0x1  }
0x4e: {  	p1 =	por p0, p1  }
.Ltmp3:
0x4f: {  	_ = 	snop;
	(pc) =	sbr.rel @p1 .LBB1_10-.Ltmp3, $4  }
0x50: {  	s19 =	sand.u32 $0x3FFFFF80, s19  }
0x51: {  	_ =	swait.ge [sflag:s4], s19  }
0x52: {  	s23 =	sshll.u32 s15, $0xE;
	s31 =	ssub.s32 $0x0, s19;
	[sflag:s4] =	ssyncset.done $0x0  }
0x53: {  	s21 =	sand.u32 $0x4000, s23;
	[sflag:s4] =	ssyncadd.s32 s31  }
0x54: {  	s23 =	sand.u32 $0x4000, s10  }
0x55: {  	s24 =	sor.u32 @!p0 $0x8000, s21;
	s26 =	simm.s32 $0x0;
	s23 =	sor.u32 $0x40, s23  }
.LBB1_4:
0x56: {  	s27 =	sshll.u32 s26, $0x10  }
0x57: {  	s27 =	sshra.s32 s27, $0x2  }
0x58: {  	p1 =	sne.s32 s22, $0x1;
	s27 =	sadd.s32 s27, s24  }
.Ltmp4:
0x59: {  	v0 =	vmov s27;
	(pc) =	sbr.rel @!p1 .LBB1_5-.Ltmp4, $2  }
0x5a: {  	_ =	sdelay $0x2  }
0x5b: {  	v1 =	vld [tilespmem:s23+$0x30];
	s29 =	sadd.s32 $0xFFFFFFFF, s22;
	p0 =	por $0x0, $0x0  }
0x5c: {  	v4 =	vld [tilespmem:s23+$0xFFFFFFC0]  }
0x5d: {  	v5 =	vld [tilespmem:s23+$0xFFFFFFD0]  }
0x5e: {  	v6 =	vld [tilespmem:s23+$0xFFFFFFE0];
	p1 =	sne.s32 s29, $0x1  }
.Ltmp5:
0x5f: {  	s28 =	sand.u32 $0x3F80, s25;
	v2 =	vld [tilespmem:s23+$0xFFFFFFF0];
	(pc) =	sbr.rel @!p1 .LBB1_7-.Ltmp5, $4  }
0x60: {  	v3 =	vld [tilespmem:s23+$0x0];
	[tilespmem:v0+s28+$0x70 ss:$0x1] =	vst.idx.msk $0xffff, v1  }
0x61: {  	[tilespmem:v0+s28+$0x0 ss:$0x1] =	vst.idx.msk $0xffff, v4;
	v4 =	vld [tilespmem:s23+$0x10]  }
0x62: {  	s27 =	sadd.s32 $0x80, s23;
	[tilespmem:v0+s28+$0x10 ss:$0x1] =	vst.idx.msk $0xffff, v5;
	v5 =	vld [tilespmem:s23+$0x20]  }
0x63: {  	s30 =	sadd.s32 $0xFFFFFFFF, s29;
	p0 =	por $0x1, $0x1;
	s29 =	simm.s32 $0x0;
	v1 =	vld [tilespmem:s27+$0x30];
	[tilespmem:v0+s28+$0x20 ss:$0x1] =	vst.idx.msk $0xffff, v6  }
.LBB1_8:
0x64: {  	p1 =	sne.s32 s30, $0x1;
	v6 =	vld [tilespmem:s27+$0xFFFFFFC0];
	[tilespmem:v0+s28+$0x30 ss:$0x1] =	vst.idx.msk $0xffff, v2  }
0x65: {  	v7 =	vld [tilespmem:s27+$0xFFFFFFD0];
	[tilespmem:v0+s28+$0x40 ss:$0x1] =	vst.idx.msk $0xffff, v3  }
0x66: {  	s29 =	sadd.s32 $0x80, s29;
	v8 =	vld [tilespmem:s27+$0xFFFFFFE0];
	[tilespmem:v0+s28+$0x50 ss:$0x1] =	vst.idx.msk $0xffff, v4  }
.Ltmp6:
0x67: {  	v2 =	vld [tilespmem:s27+$0xFFFFFFF0];
	[tilespmem:v0+s28+$0x60 ss:$0x1] =	vst.idx.msk $0xffff, v5;
	s28 =	sand.u32 $0x3F80, s29;
	(pc) =	sbr.rel @p1 .LBB1_8-.Ltmp6, $4  }
0x68: {  	v3 =	vld [tilespmem:s27+$0x0];
	[tilespmem:v0+s28+$0x70 ss:$0x1] =	vst.idx.msk $0xffff, v1  }
0x69: {  	[tilespmem:v0+s28+$0x0 ss:$0x1] =	vst.idx.msk $0xffff, v6;
	v4 =	vld [tilespmem:s27+$0x10]  }
0x6a: {  	[tilespmem:v0+s28+$0x10 ss:$0x1] =	vst.idx.msk $0xffff, v7;
	v5 =	vld [tilespmem:s27+$0x20];
	s27 =	sadd.s32 $0x80, s27  }
0x6b: {  	s30 =	sadd.s32 $0xFFFFFFFF, s30;
	v1 =	vld [tilespmem:s27+$0x30];
	[tilespmem:v0+s28+$0x20 ss:$0x1] =	vst.idx.msk $0xffff, v8  }
.LBB1_9:
0x6c: {  	_ =	sdelay $0x3  }
0x6d: {  	v6 =	vld [tilespmem:s27+$0xFFFFFFC0];
	[tilespmem:v0+s28+$0x30 ss:$0x1] =	vst.idx.msk @p0 $0xffff, v2  }
0x6e: {  	v58 =	vld [tilespmem:s27+$0xFFFFFFD0];
	s29 =	sadd.s32 @p0 $0x80, s29;
	s30 =	simm.s32 $0x0;
	[tilespmem:v0+s28+$0x40 ss:$0x1] =	vst.idx.msk @p0 $0xffff, v3  }
0x6f: {  	v59 =	vld [tilespmem:s27+$0xFFFFFFE0];
	s30 =	smov.u32 @p0 s29;
	[tilespmem:v0+s28+$0x50 ss:$0x1] =	vst.idx.msk @p0 $0xffff, v4  }
0x70: {  	v60 =	vld [tilespmem:s27+$0xFFFFFFF0];
	s29 =	sand.u32 $0x3F80, s30;
	[tilespmem:v0+s28+$0x60 ss:$0x1] =	vst.idx.msk @p0 $0xffff, v5  }
0x71: {  	v61 =	vld [tilespmem:s27+$0x0];
	[tilespmem:v0+s29+$0x70 ss:$0x1] =	vst.idx.msk $0xffff, v1  }
0x72: {  	v62 =	vld [tilespmem:s27+$0x10];
	s26 =	sadd.s32 $0x1, s26;
	[tilespmem:v0+s29+$0x0 ss:$0x1] =	vst.idx.msk $0xffff, v6  }
0x73: {  	v63 =	vld [tilespmem:s27+$0x20];
	p0 =	sne.s32 s26, s20;
	[tilespmem:v0+s29+$0x10 ss:$0x1] =	vst.idx.msk $0xffff, v58  }
.Ltmp7:
0x74: {  	[tilespmem:v0+s29+$0x20 ss:$0x1] =	vst.idx.msk $0xffff, v59;
	(pc) =	sbr.rel @p0 .LBB1_4-.Ltmp7, $4  }
.Ltmp8:
0x75: {  	[tilespmem:v0+s29+$0x30 ss:$0x1] =	vst.idx.msk $0xffff, v60;
	(pc) =	sbr.rel @!p0 .LBB1_10-.Ltmp8, $4  }
0x76: {  	[tilespmem:v0+s29+$0x40 ss:$0x1] =	vst.idx.msk $0xffff, v61  }
0x77: {  	[tilespmem:v0+s29+$0x50 ss:$0x1] =	vst.idx.msk $0xffff, v62  }
0x78: {  	s23 =	sadd.s32 $0x4000, s23;
	[tilespmem:v0+s29+$0x60 ss:$0x1] =	vst.idx.msk $0xffff, v63  }
0x79: {  	_ = 	snop  }
.LBB1_5:
.Ltmp9:
0x7a: {  	(pc) =	sbr.rel .LBB1_9-.Ltmp9, $2  }
0x7b: {  	_ =	sdelay $0x2  }
0x7c: {  	s27 =	smov.u32 s23;
	s29 =	simm.s32 $0x0  }
.LBB1_7:
.Ltmp10:
0x7d: {  	(pc) =	sbr.rel .LBB1_9-.Ltmp10, $2  }
0x7e: {  	_ =	sdelay $0x2  }
0x7f: {  	s29 =	simm.s32 $0x0  }
.LBB1_12:
0x80: {  	_ =	sfence.sel $0x180000  }
0x81: {  	s2 =	simm.s32 $0x1;
	[bflag:$0x0] =	sbarrier.arrive $0xFFFF  }
0x82: {  	s31 =	simm.s32 $0x2;
	[sflag:s2] =	ssyncpa.u1 $0x1  }
0x83: {  	[sflag:s31] =	ssyncpa.u1 $0x1  }
0x84: {  	p0 =	sne.s32 s0, $0x0;
	_ =	strace $0x90000047  }
0x85: {  	s0 =	sadd.s32 @!p0 $0x100000, s1;
	[bflag:$0x2] =	sbarrier.arrive $0xFFFF  }
0x86: {  	[sflag:s0] =	ssyncadd.tile.s32 @!p0 $0x1;
	_ =	shalt  }
.Lfunc_end1:
_tile_overlayer_lowered:
.L_overlay_start_2:
0x87: {  	(tag) =	ssettag $0x2  }
0x88: {  	s0 =	rddreg [dreg:$0x0];
	s2 =	stileid.u32  }
0x89: {  	s1 =	rddreg [dreg:$0x1];
	p0 =	sne.s32 s2, $0x0  }
0x8a: {  	s3 =	rddreg [dreg:$0x2];
	[bflag:$0x3] =	sbarrier.arrive $0xFFFF;
	s2 =	simm.s32 @!p0 $0x1C01  }
0x8b: {  	[timem:s3], [sflag:s2] =	dma.local @!p0 [hbm:s0], s1  }
0x8c: {  	s0 =	simm.s32 @!p0 $0x1  }
0x8d: {  	_ =	swait.ge @!p0 [sflag:s0], s1  }
0x8e: {  	s1 =	ssub.s32 @!p0 $0x0, s1;
	[sflag:s0] =	ssyncset.done @!p0 $0x0  }
0x8f: {  	[sflag:s0] =	ssyncadd.s32 @!p0 s1  }
0x90: {  	[bflag:$0x3] =	sbarrier.arrive $0xFFFF  }
0x91: {  	_ =	shalt  }

</sc_bundles>
